<compile_context>
chip_gen: v7x
topology: tpu7x:2x2x1
jax: 0.10.2.dev20260603
libtpu: 0.0.44.dev20260713+nightly
codegen_flags: <defaults>
</compile_context>

<pallas_src>
import dataclasses

import jax
import jax.numpy as jnp
from jax import lax
from jax.experimental import pallas as pl
from jax.experimental.pallas import tpu as pltpu
from jax.experimental.pallas import tpu_sc as plsc

N = 10000
E = 320000
F = 128
H = 128
NP = 10240
NC = 2
NS = 16
NW = NC * NS
CHUNK = 128
NCH = 80
EPT = NCH * CHUNK
EP = NW * EPT
NR = NP // NS
RB = 1024

HALF = NP // NC
ACC2 = 5376
ZB2 = ACC2 // NS
MY = HALF // NS

_mesh = plsc.VectorSubcoreMesh(core_axis_name="c", subcore_axis_name="s")

_sc_params = pltpu.CompilerParams()
if "needs_layout_passes" in pltpu.CompilerParams.__dataclass_fields__:
    _sc_params = dataclasses.replace(_sc_params, needs_layout_passes=False)



def _deg_kernel(dst_hbm, out_hbm, didx_v, ones_v, zb_v, acc_sh, sem):
    c = lax.axis_index("c")
    s = lax.axis_index("s")
    w = c * NS + s

    pltpu.async_copy(dst_hbm.at[w], didx_v, sem)

    @pl.loop(0, CHUNK, step=16)
    def _(i):
        ones_v[pl.ds(i, 16)] = jnp.full((16,), 1.0, jnp.float32)

    @pl.loop(0, NR, step=16)
    def _(i):
        zb_v[pl.ds(i, 16)] = jnp.zeros((16,), jnp.float32)

    pltpu.sync_copy(zb_v, acc_sh.at[pl.ds(s * NR, NR)])
    pltpu.make_async_copy(dst_hbm.at[w], didx_v, sem).wait()
    plsc.subcore_barrier()

    @pl.loop(0, NCH)
    def _(k):
        pltpu.async_copy(ones_v, acc_sh.at[didx_v.at[k]], sem, add=True)

    @pl.loop(0, NCH)
    def _(k):
        pltpu.make_async_copy(ones_v, acc_sh.at[didx_v.at[0]], sem).wait()

    plsc.subcore_barrier()
    pltpu.sync_copy(acc_sh.at[pl.ds(s * NR, NR)],
                    out_hbm.at[c, pl.ds(s * NR, NR)])


def _sc_degree(dst3):
    return pl.kernel(
        _deg_kernel,
        out_type=jax.ShapeDtypeStruct((NC, NP), jnp.float32),
        mesh=_mesh,
        compiler_params=_sc_params,
        scratch_types=[
            pltpu.VMEM((NCH, CHUNK), jnp.int32),
            pltpu.VMEM((CHUNK,), jnp.float32),
            pltpu.VMEM((NR,), jnp.float32),
            pltpu.VMEM_SHARED((NP,), jnp.float32),
            pltpu.SemaphoreType.DMA,
        ],
    )(dst3)


QCH = 64
NQ4 = EPT // QCH


def _agg_kernel(src_hbm, dst_hbm, y_hbm, out_hbm, sidx_v,
                di0, di1, di2, di3, ro0, ro1, ro2, ro3, acc_sh,
                g0, g1, g2, g3):
    c = lax.axis_index("c")
    s = lax.axis_index("s")
    w = c * NS + s
    base = w * EPT
    dis = [di0, di1, di2, di3]
    ros = [ro0, ro1, ro2, ro3]
    gss = [g0, g1, g2, g3]

    pltpu.async_copy(src_hbm.at[pl.ds(base, EPT)], sidx_v, g0)

    @pl.loop(0, QCH)
    def _(r):
        @pl.loop(0, H, step=16)
        def _(j):
            ro0[r, pl.ds(j, 16)] = jnp.zeros((16,), jnp.float32)

    @pl.loop(0, NR, step=QCH)
    def _(r):
        pltpu.async_copy(ro0, acc_sh.at[pl.ds(s * NR + r, QCH)], g1)

    @pl.loop(0, NR, step=QCH)
    def _(r):
        pltpu.make_async_copy(ro0, acc_sh.at[pl.ds(0, QCH)], g1).wait()

    pltpu.make_async_copy(src_hbm.at[pl.ds(base, EPT)], sidx_v, g0).wait()

    def issue(q, b):
        pltpu.async_copy(dst_hbm.at[pl.ds(base + q * QCH, QCH)], dis[b],
                         gss[b])
        pltpu.async_copy(y_hbm.at[sidx_v.at[pl.ds(q * QCH, QCH)]],
                         ros[b], gss[b])

    for q in range(4):
        issue(q, q)
    plsc.subcore_barrier()

    @pl.loop(0, NQ4, step=4)
    def _(k):
        for b in range(4):
            q = k + b
            pltpu.make_async_copy(dst_hbm.at[pl.ds(base, QCH)], dis[b],
                                  gss[b]).wait()
            pltpu.make_async_copy(y_hbm.at[sidx_v.at[pl.ds(0, QCH)]],
                                  ros[b], gss[b]).wait()
            pltpu.sync_copy(ros[b], acc_sh.at[dis[b]], add=True)

            @pl.when(q + 4 < NQ4)
            def _():
                issue(q + 4, b)

    plsc.subcore_barrier()
    pltpu.sync_copy(acc_sh.at[pl.ds(s * NR, NR)],
                    out_hbm.at[c, pl.ds(s * NR, NR)])


def _sc_aggregate(srcp, dstp, y):
    return pl.kernel(
        _agg_kernel,
        out_type=jax.ShapeDtypeStruct((NC, NP, H), jnp.float32),
        mesh=_mesh,
        compiler_params=_sc_params,
        scratch_types=[
            pltpu.VMEM((EPT,), jnp.int32),
            pltpu.VMEM((QCH,), jnp.int32),
            pltpu.VMEM((QCH,), jnp.int32),
            pltpu.VMEM((QCH,), jnp.int32),
            pltpu.VMEM((QCH,), jnp.int32),
            pltpu.VMEM((QCH, H), jnp.float32),
            pltpu.VMEM((QCH, H), jnp.float32),
            pltpu.VMEM((QCH, H), jnp.float32),
            pltpu.VMEM((QCH, H), jnp.float32),
            pltpu.VMEM_SHARED((NP, H), jnp.float32),
            pltpu.SemaphoreType.DMA,
            pltpu.SemaphoreType.DMA,
            pltpu.SemaphoreType.DMA,
            pltpu.SemaphoreType.DMA,
        ],
    )(srcp, dstp, y)


def _agg1_kernel(src_hbm, dst_hbm, y2_hbm, out_hbm, sidx_v, didx_v, y2_v,
                 vals0_v, vals1_v, zb_v, acc_sh, semA, semB):
    c = lax.axis_index("c")
    s = lax.axis_index("s")
    w = c * NS + s

    pltpu.async_copy(src_hbm.at[w], sidx_v, semA)
    pltpu.async_copy(dst_hbm.at[w], didx_v, semA)
    pltpu.async_copy(y2_hbm, y2_v, semA)

    @pl.loop(0, NR, step=16)
    def _(i):
        zb_v[pl.ds(i, 16)] = jnp.zeros((16,), jnp.float32)

    pltpu.sync_copy(zb_v, acc_sh.at[pl.ds(s * NR, NR)])
    pltpu.make_async_copy(src_hbm.at[w], sidx_v, semA).wait()
    pltpu.make_async_copy(dst_hbm.at[w], didx_v, semA).wait()
    pltpu.make_async_copy(y2_hbm, y2_v, semA).wait()
    plsc.subcore_barrier()

    def build(k, vals_v):
        @pl.loop(0, CHUNK, step=16)
        def _(j):
            idxv = sidx_v[k, pl.ds(j, 16)]
            vals_v[pl.ds(j, 16)] = plsc.load_gather(y2_v, [idxv])

    @pl.loop(0, NCH, step=2)
    def _(k):
        @pl.when(k >= 2)
        def _():
            pltpu.make_async_copy(vals0_v, acc_sh.at[didx_v.at[0]],
                                  semA).wait()

        build(k, vals0_v)
        pltpu.async_copy(vals0_v, acc_sh.at[didx_v.at[k]], semA, add=True)

        @pl.when(k >= 2)
        def _():
            pltpu.make_async_copy(vals1_v, acc_sh.at[didx_v.at[0]],
                                  semB).wait()

        build(k + 1, vals1_v)
        pltpu.async_copy(vals1_v, acc_sh.at[didx_v.at[k + 1]], semB, add=True)

    pltpu.make_async_copy(vals0_v, acc_sh.at[didx_v.at[0]], semA).wait()
    pltpu.make_async_copy(vals1_v, acc_sh.at[didx_v.at[0]], semB).wait()

    plsc.subcore_barrier()
    pltpu.sync_copy(acc_sh.at[pl.ds(s * NR, NR)],
                    out_hbm.at[c, pl.ds(s * NR, NR)])


def _sc_aggregate1(src3, dst3, y2):
    return pl.kernel(
        _agg1_kernel,
        out_type=jax.ShapeDtypeStruct((NC, NP), jnp.float32),
        mesh=_mesh,
        compiler_params=_sc_params,
        scratch_types=[
            pltpu.VMEM((NCH, CHUNK), jnp.int32),
            pltpu.VMEM((NCH, CHUNK), jnp.int32),
            pltpu.VMEM((NP,), jnp.float32),
            pltpu.VMEM((CHUNK,), jnp.float32),
            pltpu.VMEM((CHUNK,), jnp.float32),
            pltpu.VMEM((NR,), jnp.float32),
            pltpu.VMEM_SHARED((NP,), jnp.float32),
            pltpu.SemaphoreType.DMA,
            pltpu.SemaphoreType.DMA,
        ],
    )(src3, dst3, y2)



def _mm_scale_body(d_ref, x_ref, w_ref, y_ref, dis_ref):
    dis = lax.rsqrt(d_ref[0, :] + d_ref[1, :] + 1.0)
    t = jnp.dot(x_ref[...], w_ref[...], preferred_element_type=jnp.float32)
    y_ref[...] = t * dis[:, None]
    dis_ref[...] = dis[:, None]


def _tc_mm_scale(deg2, xp, W1):
    return pl.pallas_call(
        _mm_scale_body,
        grid=(NP // RB,),
        in_specs=[pl.BlockSpec((NC, RB), lambda i: (0, i)),
                  pl.BlockSpec((RB, F), lambda i: (i, 0)),
                  pl.BlockSpec((F, H), lambda i: (0, 0))],
        out_specs=[pl.BlockSpec((RB, H), lambda i: (i, 0)),
                   pl.BlockSpec((RB, 1), lambda i: (i, 0))],
        out_shape=[jax.ShapeDtypeStruct((NP, H), jnp.float32),
                   jax.ShapeDtypeStruct((NP, 1), jnp.float32)],
    )(deg2, xp, W1)


def _layer2_body(a_ref, y_ref, dis_ref, b1_ref, w2_ref, y2_ref):
    dis = dis_ref[...]
    h1 = dis * (a_ref[0] + a_ref[1] + y_ref[...]) + b1_ref[...]
    r = jnp.maximum(h1, 0.0)
    h2 = jnp.dot(r, w2_ref[...], preferred_element_type=jnp.float32)
    y2_ref[...] = h2 * dis


def _tc_layer2(aggp, y, dis, b1, W2):
    return pl.pallas_call(
        _layer2_body,
        grid=(NP // RB,),
        in_specs=[pl.BlockSpec((NC, RB, H), lambda i: (0, i, 0)),
                  pl.BlockSpec((RB, H), lambda i: (i, 0)),
                  pl.BlockSpec((RB, 1), lambda i: (i, 0)),
                  pl.BlockSpec((1, H), lambda i: (0, 0)),
                  pl.BlockSpec((H, 1), lambda i: (0, 0))],
        out_specs=pl.BlockSpec((RB, 1), lambda i: (i, 0)),
        out_shape=jax.ShapeDtypeStruct((NP, 1), jnp.float32),
    )(aggp, y, dis, b1, W2)




def _final_body(a_ref, y2_ref, dis_ref, b2_ref, o_ref):
    dis = dis_ref[...]
    agg = a_ref[0, :] + a_ref[1, :]
    o_ref[...] = dis * agg[:, None] + dis * y2_ref[...] + b2_ref[...]


def _tc_final(agg2p, y2, dis, b2):
    return pl.pallas_call(
        _final_body,
        grid=(NP // RB,),
        in_specs=[pl.BlockSpec((NC, RB), lambda i: (0, i)),
                  pl.BlockSpec((RB, 1), lambda i: (i, 0)),
                  pl.BlockSpec((RB, 1), lambda i: (i, 0)),
                  pl.BlockSpec((1, 1), lambda i: (0, 0))],
        out_specs=pl.BlockSpec((RB, 1), lambda i: (i, 0)),
        out_shape=jax.ShapeDtypeStruct((NP, 1), jnp.float32),
    )(agg2p, y2, dis, b2)



@jax.jit
def _run(x, edge_index, W1, b1, W2, b2):
    pad = jnp.arange(EP - E, dtype=jnp.int32) % (NP - N) + N
    srcp = jnp.concatenate([edge_index[0], pad])
    dstp = jnp.concatenate([edge_index[1], pad])
    src3 = srcp.reshape(NW, NCH, CHUNK)
    dst3 = dstp.reshape(NW, NCH, CHUNK)
    xp = jnp.pad(x, ((0, NP - N), (0, 0)))

    deg2 = _sc_degree(dst3)
    y, dis = _tc_mm_scale(deg2, xp, W1)
    aggp = _sc_aggregate(srcp, dstp, y)
    y2 = _tc_layer2(aggp, y, dis, b1.reshape(1, H), W2)
    agg2p = _sc_aggregate1(src3, dst3, y2.reshape(NP))
    out = _tc_final(agg2p, y2, dis, b2.reshape(1, 1))
    return out[:N]


def kernel(x, edge_index, W1, b1, W2, b2):
    return _run(x, edge_index, W1, b1, W2, b2)

# --- scband reference (transcript-rebuilt; emitter-appended) ---
"""Pipeline reference for scband-gcn-79809082294318 (READ-ONLY COPY).

The authoritative reference and input builder live on the scoring server;
editing this copy changes nothing except your own understanding.
"""

import jax, jax.numpy as jnp
import numpy as np


def _gcn_conv(x, src, dst, W, b, n):
    # linear transform
    x = x @ W
    # add self loops (PyG GCNConv default add_self_loops=True)
    loop = jnp.arange(n, dtype=src.dtype)
    s = jnp.concatenate([src, loop])
    d = jnp.concatenate([dst, loop])
    # symmetric normalization deg^{-1/2} A_hat deg^{-1/2}
    deg = jnp.zeros((n,), x.dtype).at[d].add(1.0)
    dis = jnp.where(deg > 0, deg ** -0.5, 0.0)
    norm = dis[s] * dis[d]
    msg = x[s] * norm[:, None]
    out = jnp.zeros((n, x.shape[1]), x.dtype).at[d].add(msg)
    return out + b


def setup_inputs(seed: int = 0):
    key = jax.random.key(seed)
    k1, k2, k3, k4 = jax.random.split(key, 4)
    N, E, F, H = 10000, 320000, 128, 128
    x = jax.random.normal(k1, (N, F), dtype=jnp.float32)
    edge_index = jax.random.randint(k2, (2, E), 0, N, dtype=jnp.int32)
    W1 = jax.random.normal(k3, (F, H), dtype=jnp.float32) * 0.05
    b1 = jnp.zeros((H,), dtype=jnp.float32)
    W2 = jax.random.normal(k4, (H, 1), dtype=jnp.float32) * 0.05
    b2 = jnp.zeros((1,), dtype=jnp.float32)
    return {"x": x, "edge_index": edge_index, "W1": W1, "b1": b1, "W2": W2, "b2": b2}


def reference(x, edge_index, W1, b1, W2, b2):
    n = x.shape[0]
    src, dst = edge_index[0], edge_index[1]
    h = _gcn_conv(x, src, dst, W1, b1, n)
    h = jax.nn.relu(h)
    out = _gcn_conv(h, src, dst, W2, b2, n)
    return out

if __name__ == "__main__":
    import jax
    _d = setup_inputs()
    print(jax.jit(kernel)(*tuple(_d.values())))

</pallas_src>

<mosaic_0001>
#map = affine_map<(d0, d1) -> (0, 0, 0)>
#map1 = affine_map<(d0, d1) -> (0, 0)>
module attributes {stable_mosaic.version = 14 : i64} {
  func.func @_deg_kernel(%arg0: i32, %arg1: i32, %arg2: memref<32x80x128xi32, #tpu.memory_space<hbm>>, %arg3: memref<2x10240xf32, #tpu.memory_space<hbm>>, %arg4: memref<80x128xi32, #tpu.memory_space<vmem>>, %arg5: memref<128xf32, #tpu.memory_space<vmem>>, %arg6: memref<640xf32, #tpu.memory_space<vmem>>, %arg7: memref<10240xf32, #tpu.memory_space<vmem_shared>>, %arg8: memref<!tpu.dma_semaphore, #tpu.memory_space<semaphore_mem>>) attributes {dimension_semantics = [#tpu.dimension_semantics<core_parallel>, #tpu.dimension_semantics<subcore_parallel>], iteration_bounds = array<i64: 2, 16>, scalar_prefetch = 0 : i64, scratch_operands = 5 : i64, tpu.core_type = #tpu.core_type<sc_vector_subcore>, window_params = [{transform_indices = #map}, {transform_indices = #map1}]} {
    %mul3A = arith.constant 16 : i32
    %mul3A_0 = arith.muli %arg0, %mul3A : i32
    %add3A = arith.addi %mul3A_0, %arg1 : i32
    %dma_start3A = arith.constant 0 : i32
    %dma_start3A_1 = arith.constant 0 : i32
    %dma_start3A_2 = tpu.memref_slice %arg2[%add3A, %dma_start3A, %dma_start3A_1] : memref<32x80x128xi32, #tpu.memory_space<hbm>> -> memref<1x80x128xi32, #tpu.memory_space<hbm>>
    %dma_start3A_3 = tpu.memref_squeeze %dma_start3A_2 : memref<1x80x128xi32, #tpu.memory_space<hbm>> -> memref<80x128xi32, #tpu.memory_space<hbm>>
    %dma_start3A_4 = arith.constant 0 : i32
    %dma_start3A_5 = arith.constant 0 : i32
    %dma_start3A_6 = tpu.memref_slice %arg2[%add3A, %dma_start3A_4, %dma_start3A_5] : memref<32x80x128xi32, #tpu.memory_space<hbm>> -> memref<1x80x128xi32, #tpu.memory_space<hbm>>
    %dma_start3A_7 = tpu.memref_squeeze %dma_start3A_6 : memref<1x80x128xi32, #tpu.memory_space<hbm>> -> memref<80x128xi32, #tpu.memory_space<hbm>>
    tpu.enqueue_dma source(%dma_start3A_7 : memref<80x128xi32, #tpu.memory_space<hbm>>) target(%arg4 : memref<80x128xi32, #tpu.memory_space<vmem>>) target_semaphore(%arg8 : memref<!tpu.dma_semaphore, #tpu.memory_space<semaphore_mem>>)
    %scan3A = arith.constant 0 : i32
    %scan3A_8 = arith.constant 8 : i32
    %scan3A_9 = arith.addi %scan3A, %scan3A_8 : i32
    %scan3A_10 = arith.constant 1 : i32
    scf.for %scan3A_41 = %scan3A to %scan3A_9 step %scan3A_10  : i32 {
      %mul3A_42 = arith.constant 16 : i32
      %mul3A_43 = arith.muli %scan3A_41, %mul3A_42 : i32
      %add3A_44 = arith.constant 0 : i32
      %add3A_45 = arith.addi %add3A_44, %mul3A_43 : i32
      %broadcast_in_dim3A = arith.constant 1.000000e+00 : f32
      %broadcast_in_dim3A_46 = vector.broadcast %broadcast_in_dim3A : f32 to vector<16xf32>
      %swap3A = arith.index_cast %add3A_45 : i32 to index
      %swap3A_47 = tpu.vector_load %arg5[%swap3A] {strides = array<i32>} : memref<128xf32, #tpu.memory_space<vmem>>, vector<16xf32>,
      tpu.vector_store %arg5[%swap3A], %broadcast_in_dim3A_46 {strides = array<i32>} : memref<128xf32, #tpu.memory_space<vmem>>, vector<16xf32>,
    }
    %scan3A_11 = arith.constant 8 : i32
    %scan3A_12 = arith.constant 0 : i32
    %scan3A_13 = arith.constant 40 : i32
    %scan3A_14 = arith.addi %scan3A_12, %scan3A_13 : i32
    %scan3A_15 = arith.constant 1 : i32
    scf.for %scan3A_41 = %scan3A_12 to %scan3A_14 step %scan3A_15  : i32 {
      %mul3A_42 = arith.constant 16 : i32
      %mul3A_43 = arith.muli %scan3A_41, %mul3A_42 : i32
      %add3A_44 = arith.constant 0 : i32
      %add3A_45 = arith.addi %add3A_44, %mul3A_43 : i32
      %broadcast_in_dim3A = arith.constant 0.000000e+00 : f32
      %broadcast_in_dim3A_46 = vector.broadcast %broadcast_in_dim3A : f32 to vector<16xf32>
      %swap3A = arith.index_cast %add3A_45 : i32 to index
      %swap3A_47 = tpu.vector_load %arg6[%swap3A] {strides = array<i32>} : memref<640xf32, #tpu.memory_space<vmem>>, vector<16xf32>,
      tpu.vector_store %arg6[%swap3A], %broadcast_in_dim3A_46 {strides = array<i32>} : memref<640xf32, #tpu.memory_space<vmem>>, vector<16xf32>,
    }
    %scan3A_16 = arith.constant 40 : i32
    %mul3A_17 = arith.constant 640 : i32
    %mul3A_18 = arith.muli %arg1, %mul3A_17 : i32
    "tpu.region"() ({
      %run_scoped3A = tpu.sem_alloc : memref<!tpu.dma_semaphore, #tpu.memory_space<semaphore_mem>>
      %dma_start3A_41 = tpu.memref_slice %arg7[%mul3A_18] : memref<10240xf32, #tpu.memory_space<vmem_shared>> -> memref<640xf32, #tpu.memory_space<vmem_shared>>
      %dma_start3A_42 = tpu.memref_slice %arg7[%mul3A_18] : memref<10240xf32, #tpu.memory_space<vmem_shared>> -> memref<640xf32, #tpu.memory_space<vmem_shared>>
      tpu.enqueue_dma source(%arg6 : memref<640xf32, #tpu.memory_space<vmem>>) target(%dma_start3A_42 : memref<640xf32, #tpu.memory_space<vmem_shared>>) target_semaphore(%run_scoped3A : memref<!tpu.dma_semaphore, #tpu.memory_space<semaphore_mem>>)
      %dma_wait3A_43 = tpu.memref_slice %arg7[%mul3A_18] : memref<10240xf32, #tpu.memory_space<vmem_shared>> -> memref<640xf32, #tpu.memory_space<vmem_shared>>
      %dma_wait3A_44 = tpu.memref_slice %arg7[%mul3A_18] : memref<10240xf32, #tpu.memory_space<vmem_shared>> -> memref<640xf32, #tpu.memory_space<vmem_shared>>
      tpu.wait_dma2 semaphore(%run_scoped3A : memref<!tpu.dma_semaphore, #tpu.memory_space<semaphore_mem>>) src(%arg6 : memref<640xf32, #tpu.memory_space<vmem>>) dst(%dma_wait3A_44 : memref<640xf32, #tpu.memory_space<vmem_shared>>)
      tpu.yield
    }) : () -> ()
    %dma_wait3A = arith.constant 0 : i32
    %dma_wait3A_19 = arith.constant 0 : i32
    %dma_wait3A_20 = tpu.memref_slice %arg2[%add3A, %dma_wait3A, %dma_wait3A_19] : memref<32x80x128xi32, #tpu.memory_space<hbm>> -> memref<1x80x128xi32, #tpu.memory_space<hbm>>
    %dma_wait3A_21 = tpu.memref_squeeze %dma_wait3A_20 : memref<1x80x128xi32, #tpu.memory_space<hbm>> -> memref<80x128xi32, #tpu.memory_space<hbm>>
    %dma_wait3A_22 = arith.constant 0 : i32
    %dma_wait3A_23 = arith.constant 0 : i32
    %dma_wait3A_24 = tpu.memref_slice %arg2[%add3A, %dma_wait3A_22, %dma_wait3A_23] : memref<32x80x128xi32, #tpu.memory_space<hbm>> -> memref<1x80x128xi32, #tpu.memory_space<hbm>>
    %dma_wait3A_25 = tpu.memref_squeeze %dma_wait3A_24 : memref<1x80x128xi32, #tpu.memory_space<hbm>> -> memref<80x128xi32, #tpu.memory_space<hbm>>
    tpu.wait_dma2 semaphore(%arg8 : memref<!tpu.dma_semaphore, #tpu.memory_space<semaphore_mem>>) src(%dma_wait3A_25 : memref<80x128xi32, #tpu.memory_space<hbm>>) dst(%arg4 : memref<80x128xi32, #tpu.memory_space<vmem>>)
    %barrier3A = arith.constant 0 : index
    tpu.barrier barrier_id(%barrier3A)
    %scan3A_26 = arith.constant 0 : i32
    %scan3A_27 = arith.constant 80 : i32
    %scan3A_28 = arith.addi %scan3A_26, %scan3A_27 : i32
    %scan3A_29 = arith.constant 1 : i32
    scf.for %scan3A_41 = %scan3A_26 to %scan3A_28 step %scan3A_29  : i32 {
      %mul3A_42 = arith.constant 1 : i32
      %mul3A_43 = arith.muli %scan3A_41, %mul3A_42 : i32
      %add3A_44 = arith.constant 0 : i32
      %add3A_45 = arith.addi %add3A_44, %mul3A_43 : i32
      %dma_start3A_46 = arith.constant 0 : i32
      %dma_start3A_47 = tpu.memref_slice %arg4[%add3A_45, %dma_start3A_46] : memref<80x128xi32, #tpu.memory_space<vmem>> -> memref<1x128xi32, #tpu.memory_space<vmem>>
      %dma_start3A_48 = tpu.memref_squeeze %dma_start3A_47 : memref<1x128xi32, #tpu.memory_space<vmem>> -> memref<128xi32, #tpu.memory_space<vmem>>
      %dma_start3A_49 = arith.constant 0 : i32
      %dma_start3A_50 = tpu.memref_slice %arg7[%dma_start3A_49] : memref<10240xf32, #tpu.memory_space<vmem_shared>> -> memref<10240xf32, #tpu.memory_space<vmem_shared>>
      tpu.enqueue_indirect_dma source(%arg5 : memref<128xf32, #tpu.memory_space<vmem>>) target(%dma_start3A_50 : memref<10240xf32, #tpu.memory_space<vmem_shared>>) offsets(%dma_start3A_48 : memref<128xi32, #tpu.memory_space<vmem>>) semaphore(%arg8 : memref<!tpu.dma_semaphore, #tpu.memory_space<semaphore_mem>>) {add = true}
    }
    %scan3A_30 = arith.constant 80 : i32
    %scan3A_31 = arith.constant 0 : i32
    %scan3A_32 = arith.constant 80 : i32
    %scan3A_33 = arith.addi %scan3A_31, %scan3A_32 : i32
    %scan3A_34 = arith.constant 1 : i32
    scf.for %scan3A_41 = %scan3A_31 to %scan3A_33 step %scan3A_34  : i32 {
      %mul3A_42 = arith.constant 1 : i32
      %mul3A_43 = arith.muli %scan3A_41, %mul3A_42 : i32
      %add3A_44 = arith.constant 0 : i32
      %add3A_45 = arith.addi %add3A_44, %mul3A_43 : i32
      %dma_wait3A_46 = arith.constant 0 : i32
      %dma_wait3A_47 = arith.constant 0 : i32
      %dma_wait3A_48 = tpu.memref_slice %arg4[%dma_wait3A_46, %dma_wait3A_47] : memref<80x128xi32, #tpu.memory_space<vmem>> -> memref<1x128xi32, #tpu.memory_space<vmem>>
      %dma_wait3A_49 = tpu.memref_squeeze %dma_wait3A_48 : memref<1x128xi32, #tpu.memory_space<vmem>> -> memref<128xi32, #tpu.memory_space<vmem>>
      %dma_wait3A_50 = arith.constant 0 : i32
      %dma_wait3A_51 = tpu.memref_slice %arg7[%dma_wait3A_50] : memref<10240xf32, #tpu.memory_space<vmem_shared>> -> memref<10240xf32, #tpu.memory_space<vmem_shared>>
      tpu.wait_indirect_dma semaphore(%arg8 : memref<!tpu.dma_semaphore, #tpu.memory_space<semaphore_mem>>) src(%arg5 : memref<128xf32, #tpu.memory_space<vmem>>) dst(%dma_wait3A_51 : memref<10240xf32, #tpu.memory_space<vmem_shared>>)
    }
    %scan3A_35 = arith.constant 80 : i32
    %barrier3A_36 = arith.constant 0 : index
    tpu.barrier barrier_id(%barrier3A_36)
    %mul3A_37 = arith.constant 640 : i32
    %mul3A_38 = arith.muli %arg1, %mul3A_37 : i32
    %mul3A_39 = arith.constant 640 : i32
    %mul3A_40 = arith.muli %arg1, %mul3A_39 : i32
    "tpu.region"() ({
      %run_scoped3A = tpu.sem_alloc : memref<!tpu.dma_semaphore, #tpu.memory_space<semaphore_mem>>
      %dma_start3A_41 = tpu.memref_slice %arg3[%arg0, %mul3A_40] : memref<2x10240xf32, #tpu.memory_space<hbm>> -> memref<1x640xf32, #tpu.memory_space<hbm>>
      %dma_start3A_42 = tpu.memref_squeeze %dma_start3A_41 : memref<1x640xf32, #tpu.memory_space<hbm>> -> memref<640xf32, #tpu.memory_space<hbm>>
      %dma_start3A_43 = tpu.memref_slice %arg7[%mul3A_38] : memref<10240xf32, #tpu.memory_space<vmem_shared>> -> memref<640xf32, #tpu.memory_space<vmem_shared>>
      tpu.enqueue_dma source(%dma_start3A_43 : memref<640xf32, #tpu.memory_space<vmem_shared>>) target(%dma_start3A_42 : memref<640xf32, #tpu.memory_space<hbm>>) target_semaphore(%run_scoped3A : memref<!tpu.dma_semaphore, #tpu.memory_space<semaphore_mem>>)
      %dma_wait3A_44 = tpu.memref_slice %arg3[%arg0, %mul3A_40] : memref<2x10240xf32, #tpu.memory_space<hbm>> -> memref<1x640xf32, #tpu.memory_space<hbm>>
      %dma_wait3A_45 = tpu.memref_squeeze %dma_wait3A_44 : memref<1x640xf32, #tpu.memory_space<hbm>> -> memref<640xf32, #tpu.memory_space<hbm>>
      %dma_wait3A_46 = tpu.memref_slice %arg7[%mul3A_38] : memref<10240xf32, #tpu.memory_space<vmem_shared>> -> memref<640xf32, #tpu.memory_space<vmem_shared>>
      tpu.wait_dma2 semaphore(%run_scoped3A : memref<!tpu.dma_semaphore, #tpu.memory_space<semaphore_mem>>) src(%dma_wait3A_46 : memref<640xf32, #tpu.memory_space<vmem_shared>>) dst(%dma_wait3A_45 : memref<640xf32, #tpu.memory_space<hbm>>)
      tpu.yield
    }) : () -> ()
    return
  }
}

#map = affine_map<(d0, d1) -> (0, 0, 0)>
#map1 = affine_map<(d0, d1) -> (0)>
#map2 = affine_map<(d0, d1) -> (0, 0)>
module attributes {stable_mosaic.version = 14 : i64} {
  func.func @_agg1_kernel(%arg0: i32, %arg1: i32, %arg2: memref<32x80x128xi32, #tpu.memory_space<hbm>>, %arg3: memref<32x80x128xi32, #tpu.memory_space<hbm>>, %arg4: memref<10240xf32, #tpu.memory_space<hbm>>, %arg5: memref<2x10240xf32, #tpu.memory_space<hbm>>, %arg6: memref<80x128xi32, #tpu.memory_space<vmem>>, %arg7: memref<80x128xi32, #tpu.memory_space<vmem>>, %arg8: memref<10240xf32, #tpu.memory_space<vmem>>, %arg9: memref<128xf32, #tpu.memory_space<vmem>>, %arg10: memref<128xf32, #tpu.memory_space<vmem>>, %arg11: memref<640xf32, #tpu.memory_space<vmem>>, %arg12: memref<10240xf32, #tpu.memory_space<vmem_shared>>, %arg13: memref<!tpu.dma_semaphore, #tpu.memory_space<semaphore_mem>>, %arg14: memref<!tpu.dma_semaphore, #tpu.memory_space<semaphore_mem>>) attributes {dimension_semantics = [#tpu.dimension_semantics<core_parallel>, #tpu.dimension_semantics<subcore_parallel>], iteration_bounds = array<i64: 2, 16>, scalar_prefetch = 0 : i64, scratch_operands = 9 : i64, tpu.core_type = #tpu.core_type<sc_vector_subcore>, window_params = [{transform_indices = #map}, {transform_indices = #map}, {transform_indices = #map1}, {transform_indices = #map2}]} {
    %mul3A = arith.constant 16 : i32
    %mul3A_0 = arith.muli %arg0, %mul3A : i32
    %add3A = arith.addi %mul3A_0, %arg1 : i32
    %dma_start3A = arith.constant 0 : i32
    %dma_start3A_1 = arith.constant 0 : i32
    %dma_start3A_2 = tpu.memref_slice %arg2[%add3A, %dma_start3A, %dma_start3A_1] : memref<32x80x128xi32, #tpu.memory_space<hbm>> -> memref<1x80x128xi32, #tpu.memory_space<hbm>>
    %dma_start3A_3 = tpu.memref_squeeze %dma_start3A_2 : memref<1x80x128xi32, #tpu.memory_space<hbm>> -> memref<80x128xi32, #tpu.memory_space<hbm>>
    %dma_start3A_4 = arith.constant 0 : i32
    %dma_start3A_5 = arith.constant 0 : i32
    %dma_start3A_6 = tpu.memref_slice %arg2[%add3A, %dma_start3A_4, %dma_start3A_5] : memref<32x80x128xi32, #tpu.memory_space<hbm>> -> memref<1x80x128xi32, #tpu.memory_space<hbm>>
    %dma_start3A_7 = tpu.memref_squeeze %dma_start3A_6 : memref<1x80x128xi32, #tpu.memory_space<hbm>> -> memref<80x128xi32, #tpu.memory_space<hbm>>
    tpu.enqueue_dma source(%dma_start3A_7 : memref<80x128xi32, #tpu.memory_space<hbm>>) target(%arg6 : memref<80x128xi32, #tpu.memory_space<vmem>>) target_semaphore(%arg13 : memref<!tpu.dma_semaphore, #tpu.memory_space<semaphore_mem>>)
    %dma_start3A_8 = arith.constant 0 : i32
    %dma_start3A_9 = arith.constant 0 : i32
    %dma_start3A_10 = tpu.memref_slice %arg3[%add3A, %dma_start3A_8, %dma_start3A_9] : memref<32x80x128xi32, #tpu.memory_space<hbm>> -> memref<1x80x128xi32, #tpu.memory_space<hbm>>
    %dma_start3A_11 = tpu.memref_squeeze %dma_start3A_10 : memref<1x80x128xi32, #tpu.memory_space<hbm>> -> memref<80x128xi32, #tpu.memory_space<hbm>>
    %dma_start3A_12 = arith.constant 0 : i32
    %dma_start3A_13 = arith.constant 0 : i32
    %dma_start3A_14 = tpu.memref_slice %arg3[%add3A, %dma_start3A_12, %dma_start3A_13] : memref<32x80x128xi32, #tpu.memory_space<hbm>> -> memref<1x80x128xi32, #tpu.memory_space<hbm>>
    %dma_start3A_15 = tpu.memref_squeeze %dma_start3A_14 : memref<1x80x128xi32, #tpu.memory_space<hbm>> -> memref<80x128xi32, #tpu.memory_space<hbm>>
    tpu.enqueue_dma source(%dma_start3A_15 : memref<80x128xi32, #tpu.memory_space<hbm>>) target(%arg7 : memref<80x128xi32, #tpu.memory_space<vmem>>) target_semaphore(%arg13 : memref<!tpu.dma_semaphore, #tpu.memory_space<semaphore_mem>>)
    tpu.enqueue_dma source(%arg4 : memref<10240xf32, #tpu.memory_space<hbm>>) target(%arg8 : memref<10240xf32, #tpu.memory_space<vmem>>) target_semaphore(%arg13 : memref<!tpu.dma_semaphore, #tpu.memory_space<semaphore_mem>>)
    %scan3A = arith.constant 0 : i32
    %scan3A_16 = arith.constant 40 : i32
    %scan3A_17 = arith.addi %scan3A, %scan3A_16 : i32
    %scan3A_18 = arith.constant 1 : i32
    scf.for %scan3A_59 = %scan3A to %scan3A_17 step %scan3A_18  : i32 {
      %mul3A_60 = arith.constant 16 : i32
      %mul3A_61 = arith.muli %scan3A_59, %mul3A_60 : i32
      %add3A_62 = arith.constant 0 : i32
      %add3A_63 = arith.addi %add3A_62, %mul3A_61 : i32
      %broadcast_in_dim3A = arith.constant 0.000000e+00 : f32
      %broadcast_in_dim3A_64 = vector.broadcast %broadcast_in_dim3A : f32 to vector<16xf32>
      %swap3A = arith.index_cast %add3A_63 : i32 to index
      %swap3A_65 = tpu.vector_load %arg11[%swap3A] {strides = array<i32>} : memref<640xf32, #tpu.memory_space<vmem>>, vector<16xf32>,
      tpu.vector_store %arg11[%swap3A], %broadcast_in_dim3A_64 {strides = array<i32>} : memref<640xf32, #tpu.memory_space<vmem>>, vector<16xf32>,
    }
    %scan3A_19 = arith.constant 40 : i32
    %mul3A_20 = arith.constant 640 : i32
    %mul3A_21 = arith.muli %arg1, %mul3A_20 : i32
    "tpu.region"() ({
      %run_scoped3A = tpu.sem_alloc : memref<!tpu.dma_semaphore, #tpu.memory_space<semaphore_mem>>
      %dma_start3A_59 = tpu.memref_slice %arg12[%mul3A_21] : memref<10240xf32, #tpu.memory_space<vmem_shared>> -> memref<640xf32, #tpu.memory_space<vmem_shared>>
      %dma_start3A_60 = tpu.memref_slice %arg12[%mul3A_21] : memref<10240xf32, #tpu.memory_space<vmem_shared>> -> memref<640xf32, #tpu.memory_space<vmem_shared>>
      tpu.enqueue_dma source(%arg11 : memref<640xf32, #tpu.memory_space<vmem>>) target(%dma_start3A_60 : memref<640xf32, #tpu.memory_space<vmem_shared>>) target_semaphore(%run_scoped3A : memref<!tpu.dma_semaphore, #tpu.memory_space<semaphore_mem>>)
      %dma_wait3A_61 = tpu.memref_slice %arg12[%mul3A_21] : memref<10240xf32, #tpu.memory_space<vmem_shared>> -> memref<640xf32, #tpu.memory_space<vmem_shared>>
      %dma_wait3A_62 = tpu.memref_slice %arg12[%mul3A_21] : memref<10240xf32, #tpu.memory_space<vmem_shared>> -> memref<640xf32, #tpu.memory_space<vmem_shared>>
      tpu.wait_dma2 semaphore(%run_scoped3A : memref<!tpu.dma_semaphore, #tpu.memory_space<semaphore_mem>>) src(%arg11 : memref<640xf32, #tpu.memory_space<vmem>>) dst(%dma_wait3A_62 : memref<640xf32, #tpu.memory_space<vmem_shared>>)
      tpu.yield
    }) : () -> ()
    %dma_wait3A = arith.constant 0 : i32
    %dma_wait3A_22 = arith.constant 0 : i32
    %dma_wait3A_23 = tpu.memref_slice %arg2[%add3A, %dma_wait3A, %dma_wait3A_22] : memref<32x80x128xi32, #tpu.memory_space<hbm>> -> memref<1x80x128xi32, #tpu.memory_space<hbm>>
    %dma_wait3A_24 = tpu.memref_squeeze %dma_wait3A_23 : memref<1x80x128xi32, #tpu.memory_space<hbm>> -> memref<80x128xi32, #tpu.memory_space<hbm>>
    %dma_wait3A_25 = arith.constant 0 : i32
    %dma_wait3A_26 = arith.constant 0 : i32
    %dma_wait3A_27 = tpu.memref_slice %arg2[%add3A, %dma_wait3A_25, %dma_wait3A_26] : memref<32x80x128xi32, #tpu.memory_space<hbm>> -> memref<1x80x128xi32, #tpu.memory_space<hbm>>
    %dma_wait3A_28 = tpu.memref_squeeze %dma_wait3A_27 : memref<1x80x128xi32, #tpu.memory_space<hbm>> -> memref<80x128xi32, #tpu.memory_space<hbm>>
    tpu.wait_dma2 semaphore(%arg13 : memref<!tpu.dma_semaphore, #tpu.memory_space<semaphore_mem>>) src(%dma_wait3A_28 : memref<80x128xi32, #tpu.memory_space<hbm>>) dst(%arg6 : memref<80x128xi32, #tpu.memory_space<vmem>>)
    %dma_wait3A_29 = arith.constant 0 : i32
    %dma_wait3A_30 = arith.constant 0 : i32
    %dma_wait3A_31 = tpu.memref_slice %arg3[%add3A, %dma_wait3A_29, %dma_wait3A_30] : memref<32x80x128xi32, #tpu.memory_space<hbm>> -> memref<1x80x128xi32, #tpu.memory_space<hbm>>
    %dma_wait3A_32 = tpu.memref_squeeze %dma_wait3A_31 : memref<1x80x128xi32, #tpu.memory_space<hbm>> -> memref<80x128xi32, #tpu.memory_space<hbm>>
    %dma_wait3A_33 = arith.constant 0 : i32
    %dma_wait3A_34 = arith.constant 0 : i32
    %dma_wait3A_35 = tpu.memref_slice %arg3[%add3A, %dma_wait3A_33, %dma_wait3A_34] : memref<32x80x128xi32, #tpu.memory_space<hbm>> -> memref<1x80x128xi32, #tpu.memory_space<hbm>>
    %dma_wait3A_36 = tpu.memref_squeeze %dma_wait3A_35 : memref<1x80x128xi32, #tpu.memory_space<hbm>> -> memref<80x128xi32, #tpu.memory_space<hbm>>
    tpu.wait_dma2 semaphore(%arg13 : memref<!tpu.dma_semaphore, #tpu.memory_space<semaphore_mem>>) src(%dma_wait3A_36 : memref<80x128xi32, #tpu.memory_space<hbm>>) dst(%arg7 : memref<80x128xi32, #tpu.memory_space<vmem>>)
    tpu.wait_dma2 semaphore(%arg13 : memref<!tpu.dma_semaphore, #tpu.memory_space<semaphore_mem>>) src(%arg4 : memref<10240xf32, #tpu.memory_space<hbm>>) dst(%arg8 : memref<10240xf32, #tpu.memory_space<vmem>>)
    %barrier3A = arith.constant 0 : index
    tpu.barrier barrier_id(%barrier3A)
    %scan3A_37 = arith.constant 0 : i32
    %scan3A_38 = arith.constant 40 : i32
    %scan3A_39 = arith.addi %scan3A_37, %scan3A_38 : i32
    %scan3A_40 = arith.constant 1 : i32
    scf.for %scan3A_59 = %scan3A_37 to %scan3A_39 step %scan3A_40  : i32 {
      %mul3A_60 = arith.constant 2 : i32
      %mul3A_61 = arith.muli %scan3A_59, %mul3A_60 : i32
      %add3A_62 = arith.constant 0 : i32
      %add3A_63 = arith.addi %add3A_62, %mul3A_61 : i32
      %ge3A = arith.constant 2 : i32
      %ge3A_64 = arith.cmpi sge, %add3A_63, %ge3A : i32
      %convert_element_type3A = arith.extui %ge3A_64 : i1 to i32
      %cond3A = arith.constant 0 : i32
      %cond3A_65 = arith.cmpi ne, %convert_element_type3A, %cond3A : i32
      scf.if %cond3A_65 {
        %dma_wait3A_95 = arith.constant 0 : i32
        %dma_wait3A_96 = arith.constant 0 : i32
        %dma_wait3A_97 = tpu.memref_slice %arg7[%dma_wait3A_95, %dma_wait3A_96] : memref<80x128xi32, #tpu.memory_space<vmem>> -> memref<1x128xi32, #tpu.memory_space<vmem>>
        %dma_wait3A_98 = tpu.memref_squeeze %dma_wait3A_97 : memref<1x128xi32, #tpu.memory_space<vmem>> -> memref<128xi32, #tpu.memory_space<vmem>>
        %dma_wait3A_99 = arith.constant 0 : i32
        %dma_wait3A_100 = tpu.memref_slice %arg12[%dma_wait3A_99] : memref<10240xf32, #tpu.memory_space<vmem_shared>> -> memref<10240xf32, #tpu.memory_space<vmem_shared>>
        tpu.wait_indirect_dma semaphore(%arg13 : memref<!tpu.dma_semaphore, #tpu.memory_space<semaphore_mem>>) src(%arg9 : memref<128xf32, #tpu.memory_space<vmem>>) dst(%dma_wait3A_100 : memref<10240xf32, #tpu.memory_space<vmem_shared>>)
      } else {
      }
      %scan3A_66 = arith.constant 0 : i32
      %scan3A_67 = arith.constant 8 : i32
      %scan3A_68 = arith.addi %scan3A_66, %scan3A_67 : i32
      %scan3A_69 = arith.constant 1 : i32
      scf.for %scan3A_95 = %scan3A_66 to %scan3A_68 step %scan3A_69  : i32 {
        %mul3A_96 = arith.constant 16 : i32
        %mul3A_97 = arith.muli %scan3A_95, %mul3A_96 : i32
        %add3A_98 = arith.constant 0 : i32
        %add3A_99 = arith.addi %add3A_98, %mul3A_97 : i32
        %get3A = arith.index_cast %add3A_63 : i32 to index
        %get3A_100 = arith.index_cast %add3A_99 : i32 to index
        %get3A_101 = tpu.vector_load %arg6[%get3A, %get3A_100] {strides = array<i32>} : memref<80x128xi32, #tpu.memory_space<vmem>>, vector<16xi32>,
        %gather3A = tpu.vector_load_idx %arg8[%get3A_101] : memref<10240xf32, #tpu.memory_space<vmem>>[vector<16xi32>], vector<16xf32>,
        %swap3A = arith.index_cast %add3A_99 : i32 to index
        %swap3A_102 = tpu.vector_load %arg9[%swap3A] {strides = array<i32>} : memref<128xf32, #tpu.memory_space<vmem>>, vector<16xf32>,
        tpu.vector_store %arg9[%swap3A], %gather3A {strides = array<i32>} : memref<128xf32, #tpu.memory_space<vmem>>, vector<16xf32>,
      }
      %scan3A_70 = arith.constant 8 : i32
      %dma_start3A_71 = arith.constant 0 : i32
      %dma_start3A_72 = tpu.memref_slice %arg7[%add3A_63, %dma_start3A_71] : memref<80x128xi32, #tpu.memory_space<vmem>> -> memref<1x128xi32, #tpu.memory_space<vmem>>
      %dma_start3A_73 = tpu.memref_squeeze %dma_start3A_72 : memref<1x128xi32, #tpu.memory_space<vmem>> -> memref<128xi32, #tpu.memory_space<vmem>>
      %dma_start3A_74 = arith.constant 0 : i32
      %dma_start3A_75 = tpu.memref_slice %arg12[%dma_start3A_74] : memref<10240xf32, #tpu.memory_space<vmem_shared>> -> memref<10240xf32, #tpu.memory_space<vmem_shared>>
      tpu.enqueue_indirect_dma source(%arg9 : memref<128xf32, #tpu.memory_space<vmem>>) target(%dma_start3A_75 : memref<10240xf32, #tpu.memory_space<vmem_shared>>) offsets(%dma_start3A_73 : memref<128xi32, #tpu.memory_space<vmem>>) semaphore(%arg13 : memref<!tpu.dma_semaphore, #tpu.memory_space<semaphore_mem>>) {add = true}
      %ge3A_76 = arith.constant 2 : i32
      %ge3A_77 = arith.cmpi sge, %add3A_63, %ge3A_76 : i32
      %convert_element_type3A_78 = arith.extui %ge3A_77 : i1 to i32
      %cond3A_79 = arith.constant 0 : i32
      %cond3A_80 = arith.cmpi ne, %convert_element_type3A_78, %cond3A_79 : i32
      scf.if %cond3A_80 {
        %dma_wait3A_95 = arith.constant 0 : i32
        %dma_wait3A_96 = arith.constant 0 : i32
        %dma_wait3A_97 = tpu.memref_slice %arg7[%dma_wait3A_95, %dma_wait3A_96] : memref<80x128xi32, #tpu.memory_space<vmem>> -> memref<1x128xi32, #tpu.memory_space<vmem>>
        %dma_wait3A_98 = tpu.memref_squeeze %dma_wait3A_97 : memref<1x128xi32, #tpu.memory_space<vmem>> -> memref<128xi32, #tpu.memory_space<vmem>>
        %dma_wait3A_99 = arith.constant 0 : i32
        %dma_wait3A_100 = tpu.memref_slice %arg12[%dma_wait3A_99] : memref<10240xf32, #tpu.memory_space<vmem_shared>> -> memref<10240xf32, #tpu.memory_space<vmem_shared>>
        tpu.wait_indirect_dma semaphore(%arg14 : memref<!tpu.dma_semaphore, #tpu.memory_space<semaphore_mem>>) src(%arg10 : memref<128xf32, #tpu.memory_space<vmem>>) dst(%dma_wait3A_100 : memref<10240xf32, #tpu.memory_space<vmem_shared>>)
      } else {
      }
      %add3A_81 = arith.constant 1 : i32
      %add3A_82 = arith.addi %add3A_63, %add3A_81 : i32
      %scan3A_83 = arith.constant 0 : i32
      %scan3A_84 = arith.constant 8 : i32
      %scan3A_85 = arith.addi %scan3A_83, %scan3A_84 : i32
      %scan3A_86 = arith.constant 1 : i32
      scf.for %scan3A_95 = %scan3A_83 to %scan3A_85 step %scan3A_86  : i32 {
        %mul3A_96 = arith.constant 16 : i32
        %mul3A_97 = arith.muli %scan3A_95, %mul3A_96 : i32
        %add3A_98 = arith.constant 0 : i32
        %add3A_99 = arith.addi %add3A_98, %mul3A_97 : i32
        %get3A = arith.index_cast %add3A_82 : i32 to index
        %get3A_100 = arith.index_cast %add3A_99 : i32 to index
        %get3A_101 = tpu.vector_load %arg6[%get3A, %get3A_100] {strides = array<i32>} : memref<80x128xi32, #tpu.memory_space<vmem>>, vector<16xi32>,
        %gather3A = tpu.vector_load_idx %arg8[%get3A_101] : memref<10240xf32, #tpu.memory_space<vmem>>[vector<16xi32>], vector<16xf32>,
        %swap3A = arith.index_cast %add3A_99 : i32 to index
        %swap3A_102 = tpu.vector_load %arg10[%swap3A] {strides = array<i32>} : memref<128xf32, #tpu.memory_space<vmem>>, vector<16xf32>,
        tpu.vector_store %arg10[%swap3A], %gather3A {strides = array<i32>} : memref<128xf32, #tpu.memory_space<vmem>>, vector<16xf32>,
      }
      %scan3A_87 = arith.constant 8 : i32
      %add3A_88 = arith.constant 1 : i32
      %add3A_89 = arith.addi %add3A_63, %add3A_88 : i32
      %dma_start3A_90 = arith.constant 0 : i32
      %dma_start3A_91 = tpu.memref_slice %arg7[%add3A_89, %dma_start3A_90] : memref<80x128xi32, #tpu.memory_space<vmem>> -> memref<1x128xi32, #tpu.memory_space<vmem>>
      %dma_start3A_92 = tpu.memref_squeeze %dma_start3A_91 : memref<1x128xi32, #tpu.memory_space<vmem>> -> memref<128xi32, #tpu.memory_space<vmem>>
      %dma_start3A_93 = arith.constant 0 : i32
      %dma_start3A_94 = tpu.memref_slice %arg12[%dma_start3A_93] : memref<10240xf32, #tpu.memory_space<vmem_shared>> -> memref<10240xf32, #tpu.memory_space<vmem_shared>>
      tpu.enqueue_indirect_dma source(%arg10 : memref<128xf32, #tpu.memory_space<vmem>>) target(%dma_start3A_94 : memref<10240xf32, #tpu.memory_space<vmem_shared>>) offsets(%dma_start3A_92 : memref<128xi32, #tpu.memory_space<vmem>>) semaphore(%arg14 : memref<!tpu.dma_semaphore, #tpu.memory_space<semaphore_mem>>) {add = true}
    }
    %scan3A_41 = arith.constant 40 : i32
    %dma_wait3A_42 = arith.constant 0 : i32
    %dma_wait3A_43 = arith.constant 0 : i32
    %dma_wait3A_44 = tpu.memref_slice %arg7[%dma_wait3A_42, %dma_wait3A_43] : memref<80x128xi32, #tpu.memory_space<vmem>> -> memref<1x128xi32, #tpu.memory_space<vmem>>
    %dma_wait3A_45 = tpu.memref_squeeze %dma_wait3A_44 : memref<1x128xi32, #tpu.memory_space<vmem>> -> memref<128xi32, #tpu.memory_space<vmem>>
    %dma_wait3A_46 = arith.constant 0 : i32
    %dma_wait3A_47 = tpu.memref_slice %arg12[%dma_wait3A_46] : memref<10240xf32, #tpu.memory_space<vmem_shared>> -> memref<10240xf32, #tpu.memory_space<vmem_shared>>
    tpu.wait_indirect_dma semaphore(%arg13 : memref<!tpu.dma_semaphore, #tpu.memory_space<semaphore_mem>>) src(%arg9 : memref<128xf32, #tpu.memory_space<vmem>>) dst(%dma_wait3A_47 : memref<10240xf32, #tpu.memory_space<vmem_shared>>)
    %dma_wait3A_48 = arith.constant 0 : i32
    %dma_wait3A_49 = arith.constant 0 : i32
    %dma_wait3A_50 = tpu.memref_slice %arg7[%dma_wait3A_48, %dma_wait3A_49] : memref<80x128xi32, #tpu.memory_space<vmem>> -> memref<1x128xi32, #tpu.memory_space<vmem>>
    %dma_wait3A_51 = tpu.memref_squeeze %dma_wait3A_50 : memref<1x128xi32, #tpu.memory_space<vmem>> -> memref<128xi32, #tpu.memory_space<vmem>>
    %dma_wait3A_52 = arith.constant 0 : i32
    %dma_wait3A_53 = tpu.memref_slice %arg12[%dma_wait3A_52] : memref<10240xf32, #tpu.memory_space<vmem_shared>> -> memref<10240xf32, #tpu.memory_space<vmem_shared>>
    tpu.wait_indirect_dma semaphore(%arg14 : memref<!tpu.dma_semaphore, #tpu.memory_space<semaphore_mem>>) src(%arg10 : memref<128xf32, #tpu.memory_space<vmem>>) dst(%dma_wait3A_53 : memref<10240xf32, #tpu.memory_space<vmem_shared>>)
    %barrier3A_54 = arith.constant 0 : index
    tpu.barrier barrier_id(%barrier3A_54)
    %mul3A_55 = arith.constant 640 : i32
    %mul3A_56 = arith.muli %arg1, %mul3A_55 : i32
    %mul3A_57 = arith.constant 640 : i32
    %mul3A_58 = arith.muli %arg1, %mul3A_57 : i32
    "tpu.region"() ({
      %run_scoped3A = tpu.sem_alloc : memref<!tpu.dma_semaphore, #tpu.memory_space<semaphore_mem>>
      %dma_start3A_59 = tpu.memref_slice %arg5[%arg0, %mul3A_58] : memref<2x10240xf32, #tpu.memory_space<hbm>> -> memref<1x640xf32, #tpu.memory_space<hbm>>
      %dma_start3A_60 = tpu.memref_squeeze %dma_start3A_59 : memref<1x640xf32, #tpu.memory_space<hbm>> -> memref<640xf32, #tpu.memory_space<hbm>>
      %dma_start3A_61 = tpu.memref_slice %arg12[%mul3A_56] : memref<10240xf32, #tpu.memory_space<vmem_shared>> -> memref<640xf32, #tpu.memory_space<vmem_shared>>
      tpu.enqueue_dma source(%dma_start3A_61 : memref<640xf32, #tpu.memory_space<vmem_shared>>) target(%dma_start3A_60 : memref<640xf32, #tpu.memory_space<hbm>>) target_semaphore(%run_scoped3A : memref<!tpu.dma_semaphore, #tpu.memory_space<semaphore_mem>>)
      %dma_wait3A_62 = tpu.memref_slice %arg5[%arg0, %mul3A_58] : memref<2x10240xf32, #tpu.memory_space<hbm>> -> memref<1x640xf32, #tpu.memory_space<hbm>>
      %dma_wait3A_63 = tpu.memref_squeeze %dma_wait3A_62 : memref<1x640xf32, #tpu.memory_space<hbm>> -> memref<640xf32, #tpu.memory_space<hbm>>
      %dma_wait3A_64 = tpu.memref_slice %arg12[%mul3A_56] : memref<10240xf32, #tpu.memory_space<vmem_shared>> -> memref<640xf32, #tpu.memory_space<vmem_shared>>
      tpu.wait_dma2 semaphore(%run_scoped3A : memref<!tpu.dma_semaphore, #tpu.memory_space<semaphore_mem>>) src(%dma_wait3A_64 : memref<640xf32, #tpu.memory_space<vmem_shared>>) dst(%dma_wait3A_63 : memref<640xf32, #tpu.memory_space<hbm>>)
      tpu.yield
    }) : () -> ()
    return
  }
}

#map = affine_map<(d0, d1) -> (0)>
#map1 = affine_map<(d0, d1) -> (0, 0)>
#map2 = affine_map<(d0, d1) -> (0, 0, 0)>
module attributes {stable_mosaic.version = 14 : i64} {
  func.func @_agg_kernel(%arg0: i32, %arg1: i32, %arg2: memref<327680xi32, #tpu.memory_space<hbm>>, %arg3: memref<327680xi32, #tpu.memory_space<hbm>>, %arg4: memref<10240x128xf32, #tpu.memory_space<hbm>>, %arg5: memref<2x10240x128xf32, #tpu.memory_space<hbm>>, %arg6: memref<10240xi32, #tpu.memory_space<vmem>>, %arg7: memref<64xi32, #tpu.memory_space<vmem>>, %arg8: memref<64xi32, #tpu.memory_space<vmem>>, %arg9: memref<64xi32, #tpu.memory_space<vmem>>, %arg10: memref<64xi32, #tpu.memory_space<vmem>>, %arg11: memref<64x128xf32, #tpu.memory_space<vmem>>, %arg12: memref<64x128xf32, #tpu.memory_space<vmem>>, %arg13: memref<64x128xf32, #tpu.memory_space<vmem>>, %arg14: memref<64x128xf32, #tpu.memory_space<vmem>>, %arg15: memref<10240x128xf32, #tpu.memory_space<vmem_shared>>, %arg16: memref<!tpu.dma_semaphore, #tpu.memory_space<semaphore_mem>>, %arg17: memref<!tpu.dma_semaphore, #tpu.memory_space<semaphore_mem>>, %arg18: memref<!tpu.dma_semaphore, #tpu.memory_space<semaphore_mem>>, %arg19: memref<!tpu.dma_semaphore, #tpu.memory_space<semaphore_mem>>) attributes {dimension_semantics = [#tpu.dimension_semantics<core_parallel>, #tpu.dimension_semantics<subcore_parallel>], iteration_bounds = array<i64: 2, 16>, scalar_prefetch = 0 : i64, scratch_operands = 14 : i64, tpu.core_type = #tpu.core_type<sc_vector_subcore>, window_params = [{transform_indices = #map}, {transform_indices = #map}, {transform_indices = #map1}, {transform_indices = #map2}]} {
    %mul3A = arith.constant 16 : i32
    %mul3A_0 = arith.muli %arg0, %mul3A : i32
    %add3A = arith.addi %mul3A_0, %arg1 : i32
    %mul3A_1 = arith.constant 10240 : i32
    %mul3A_2 = arith.muli %add3A, %mul3A_1 : i32
    %dma_start3A = tpu.memref_slice %arg2[%mul3A_2] : memref<327680xi32, #tpu.memory_space<hbm>> -> memref<10240xi32, #tpu.memory_space<hbm>>
    %dma_start3A_3 = tpu.memref_slice %arg2[%mul3A_2] : memref<327680xi32, #tpu.memory_space<hbm>> -> memref<10240xi32, #tpu.memory_space<hbm>>
    tpu.enqueue_dma source(%dma_start3A_3 : memref<10240xi32, #tpu.memory_space<hbm>>) target(%arg6 : memref<10240xi32, #tpu.memory_space<vmem>>) target_semaphore(%arg16 : memref<!tpu.dma_semaphore, #tpu.memory_space<semaphore_mem>>)
    %scan3A = arith.constant 0 : i32
    %scan3A_4 = arith.constant 64 : i32
    %scan3A_5 = arith.addi %scan3A, %scan3A_4 : i32
    %scan3A_6 = arith.constant 1 : i32
    scf.for %scan3A_65 = %scan3A to %scan3A_5 step %scan3A_6  : i32 {
      %mul3A_66 = arith.constant 1 : i32
      %mul3A_67 = arith.muli %scan3A_65, %mul3A_66 : i32
      %add3A_68 = arith.constant 0 : i32
      %add3A_69 = arith.addi %add3A_68, %mul3A_67 : i32
      %scan3A_70 = arith.constant 0 : i32
      %scan3A_71 = arith.constant 8 : i32
      %scan3A_72 = arith.addi %scan3A_70, %scan3A_71 : i32
      %scan3A_73 = arith.constant 1 : i32
      scf.for %scan3A_75 = %scan3A_70 to %scan3A_72 step %scan3A_73  : i32 {
        %mul3A_76 = arith.constant 16 : i32
        %mul3A_77 = arith.muli %scan3A_75, %mul3A_76 : i32
        %add3A_78 = arith.constant 0 : i32
        %add3A_79 = arith.addi %add3A_78, %mul3A_77 : i32
        %broadcast_in_dim3A = arith.constant 0.000000e+00 : f32
        %broadcast_in_dim3A_80 = vector.broadcast %broadcast_in_dim3A : f32 to vector<16xf32>
        %swap3A = arith.index_cast %add3A_69 : i32 to index
        %swap3A_81 = arith.index_cast %add3A_79 : i32 to index
        %swap3A_82 = tpu.vector_load %arg11[%swap3A, %swap3A_81] {strides = array<i32>} : memref<64x128xf32, #tpu.memory_space<vmem>>, vector<16xf32>,
        tpu.vector_store %arg11[%swap3A, %swap3A_81], %broadcast_in_dim3A_80 {strides = array<i32>} : memref<64x128xf32, #tpu.memory_space<vmem>>, vector<16xf32>,
      }
      %scan3A_74 = arith.constant 8 : i32
    }
    %scan3A_7 = arith.constant 64 : i32
    %scan3A_8 = arith.constant 0 : i32
    %scan3A_9 = arith.constant 10 : i32
    %scan3A_10 = arith.addi %scan3A_8, %scan3A_9 : i32
    %scan3A_11 = arith.constant 1 : i32
    scf.for %scan3A_65 = %scan3A_8 to %scan3A_10 step %scan3A_11  : i32 {
      %mul3A_66 = arith.constant 64 : i32
      %mul3A_67 = arith.muli %scan3A_65, %mul3A_66 : i32
      %add3A_68 = arith.constant 0 : i32
      %add3A_69 = arith.addi %add3A_68, %mul3A_67 : i32
      %mul3A_70 = arith.constant 640 : i32
      %mul3A_71 = arith.muli %arg1, %mul3A_70 : i32
      %add3A_72 = arith.addi %mul3A_71, %add3A_69 : i32
      %dma_start3A_73 = arith.constant 0 : i32
      %dma_start3A_74 = tpu.memref_slice %arg15[%add3A_72, %dma_start3A_73] : memref<10240x128xf32, #tpu.memory_space<vmem_shared>> -> memref<64x128xf32, #tpu.memory_space<vmem_shared>>
      %dma_start3A_75 = arith.constant 0 : i32
      %dma_start3A_76 = tpu.memref_slice %arg15[%add3A_72, %dma_start3A_75] : memref<10240x128xf32, #tpu.memory_space<vmem_shared>> -> memref<64x128xf32, #tpu.memory_space<vmem_shared>>
      tpu.enqueue_dma source(%arg11 : memref<64x128xf32, #tpu.memory_space<vmem>>) target(%dma_start3A_76 : memref<64x128xf32, #tpu.memory_space<vmem_shared>>) target_semaphore(%arg17 : memref<!tpu.dma_semaphore, #tpu.memory_space<semaphore_mem>>)
    }
    %scan3A_12 = arith.constant 10 : i32
    %scan3A_13 = arith.constant 0 : i32
    %scan3A_14 = arith.constant 10 : i32
    %scan3A_15 = arith.addi %scan3A_13, %scan3A_14 : i32
    %scan3A_16 = arith.constant 1 : i32
    scf.for %scan3A_65 = %scan3A_13 to %scan3A_15 step %scan3A_16  : i32 {
      %mul3A_66 = arith.constant 64 : i32
      %mul3A_67 = arith.muli %scan3A_65, %mul3A_66 : i32
      %add3A_68 = arith.constant 0 : i32
      %add3A_69 = arith.addi %add3A_68, %mul3A_67 : i32
      %dma_wait3A_70 = arith.constant 0 : i32
      %dma_wait3A_71 = arith.constant 0 : i32
      %dma_wait3A_72 = tpu.memref_slice %arg15[%dma_wait3A_70, %dma_wait3A_71] : memref<10240x128xf32, #tpu.memory_space<vmem_shared>> -> memref<64x128xf32, #tpu.memory_space<vmem_shared>>
      %dma_wait3A_73 = arith.constant 0 : i32
      %dma_wait3A_74 = arith.constant 0 : i32
      %dma_wait3A_75 = tpu.memref_slice %arg15[%dma_wait3A_73, %dma_wait3A_74] : memref<10240x128xf32, #tpu.memory_space<vmem_shared>> -> memref<64x128xf32, #tpu.memory_space<vmem_shared>>
      tpu.wait_dma2 semaphore(%arg17 : memref<!tpu.dma_semaphore, #tpu.memory_space<semaphore_mem>>) src(%arg11 : memref<64x128xf32, #tpu.memory_space<vmem>>) dst(%dma_wait3A_75 : memref<64x128xf32, #tpu.memory_space<vmem_shared>>)
    }
    %scan3A_17 = arith.constant 10 : i32
    %dma_wait3A = tpu.memref_slice %arg2[%mul3A_2] : memref<327680xi32, #tpu.memory_space<hbm>> -> memref<10240xi32, #tpu.memory_space<hbm>>
    %dma_wait3A_18 = tpu.memref_slice %arg2[%mul3A_2] : memref<327680xi32, #tpu.memory_space<hbm>> -> memref<10240xi32, #tpu.memory_space<hbm>>
    tpu.wait_dma2 semaphore(%arg16 : memref<!tpu.dma_semaphore, #tpu.memory_space<semaphore_mem>>) src(%dma_wait3A_18 : memref<10240xi32, #tpu.memory_space<hbm>>) dst(%arg6 : memref<10240xi32, #tpu.memory_space<vmem>>)
    %add3A_19 = arith.constant 0 : i32
    %add3A_20 = arith.addi %mul3A_2, %add3A_19 : i32
    %dma_start3A_21 = tpu.memref_slice %arg3[%add3A_20] : memref<327680xi32, #tpu.memory_space<hbm>> -> memref<64xi32, #tpu.memory_space<hbm>>
    %dma_start3A_22 = tpu.memref_slice %arg3[%add3A_20] : memref<327680xi32, #tpu.memory_space<hbm>> -> memref<64xi32, #tpu.memory_space<hbm>>
    tpu.enqueue_dma source(%dma_start3A_22 : memref<64xi32, #tpu.memory_space<hbm>>) target(%arg7 : memref<64xi32, #tpu.memory_space<vmem>>) target_semaphore(%arg16 : memref<!tpu.dma_semaphore, #tpu.memory_space<semaphore_mem>>)
    %dma_start3A_23 = arith.constant 0 : i32
    %dma_start3A_24 = tpu.memref_slice %arg6[%dma_start3A_23] : memref<10240xi32, #tpu.memory_space<vmem>> -> memref<64xi32, #tpu.memory_space<vmem>>
    %dma_start3A_25 = arith.constant 0 : i32
    %dma_start3A_26 = arith.constant 0 : i32
    %dma_start3A_27 = tpu.memref_slice %arg4[%dma_start3A_25, %dma_start3A_26] : memref<10240x128xf32, #tpu.memory_space<hbm>> -> memref<10240x128xf32, #tpu.memory_space<hbm>>
    tpu.enqueue_indirect_dma source(%dma_start3A_27 : memref<10240x128xf32, #tpu.memory_space<hbm>>) target(%arg11 : memref<64x128xf32, #tpu.memory_space<vmem>>) offsets(%dma_start3A_24 : memref<64xi32, #tpu.memory_space<vmem>>) semaphore(%arg16 : memref<!tpu.dma_semaphore, #tpu.memory_space<semaphore_mem>>)
    %add3A_28 = arith.constant 64 : i32
    %add3A_29 = arith.addi %mul3A_2, %add3A_28 : i32
    %dma_start3A_30 = tpu.memref_slice %arg3[%add3A_29] : memref<327680xi32, #tpu.memory_space<hbm>> -> memref<64xi32, #tpu.memory_space<hbm>>
    %dma_start3A_31 = tpu.memref_slice %arg3[%add3A_29] : memref<327680xi32, #tpu.memory_space<hbm>> -> memref<64xi32, #tpu.memory_space<hbm>>
    tpu.enqueue_dma source(%dma_start3A_31 : memref<64xi32, #tpu.memory_space<hbm>>) target(%arg8 : memref<64xi32, #tpu.memory_space<vmem>>) target_semaphore(%arg17 : memref<!tpu.dma_semaphore, #tpu.memory_space<semaphore_mem>>)
    %dma_start3A_32 = arith.constant 64 : i32
    %dma_start3A_33 = tpu.memref_slice %arg6[%dma_start3A_32] : memref<10240xi32, #tpu.memory_space<vmem>> -> memref<64xi32, #tpu.memory_space<vmem>>
    %dma_start3A_34 = arith.constant 0 : i32
    %dma_start3A_35 = arith.constant 0 : i32
    %dma_start3A_36 = tpu.memref_slice %arg4[%dma_start3A_34, %dma_start3A_35] : memref<10240x128xf32, #tpu.memory_space<hbm>> -> memref<10240x128xf32, #tpu.memory_space<hbm>>
    tpu.enqueue_indirect_dma source(%dma_start3A_36 : memref<10240x128xf32, #tpu.memory_space<hbm>>) target(%arg12 : memref<64x128xf32, #tpu.memory_space<vmem>>) offsets(%dma_start3A_33 : memref<64xi32, #tpu.memory_space<vmem>>) semaphore(%arg17 : memref<!tpu.dma_semaphore, #tpu.memory_space<semaphore_mem>>)
    %add3A_37 = arith.constant 128 : i32
    %add3A_38 = arith.addi %mul3A_2, %add3A_37 : i32
    %dma_start3A_39 = tpu.memref_slice %arg3[%add3A_38] : memref<327680xi32, #tpu.memory_space<hbm>> -> memref<64xi32, #tpu.memory_space<hbm>>
    %dma_start3A_40 = tpu.memref_slice %arg3[%add3A_38] : memref<327680xi32, #tpu.memory_space<hbm>> -> memref<64xi32, #tpu.memory_space<hbm>>
    tpu.enqueue_dma source(%dma_start3A_40 : memref<64xi32, #tpu.memory_space<hbm>>) target(%arg9 : memref<64xi32, #tpu.memory_space<vmem>>) target_semaphore(%arg18 : memref<!tpu.dma_semaphore, #tpu.memory_space<semaphore_mem>>)
    %dma_start3A_41 = arith.constant 128 : i32
    %dma_start3A_42 = tpu.memref_slice %arg6[%dma_start3A_41] : memref<10240xi32, #tpu.memory_space<vmem>> -> memref<64xi32, #tpu.memory_space<vmem>>
    %dma_start3A_43 = arith.constant 0 : i32
    %dma_start3A_44 = arith.constant 0 : i32
    %dma_start3A_45 = tpu.memref_slice %arg4[%dma_start3A_43, %dma_start3A_44] : memref<10240x128xf32, #tpu.memory_space<hbm>> -> memref<10240x128xf32, #tpu.memory_space<hbm>>
    tpu.enqueue_indirect_dma source(%dma_start3A_45 : memref<10240x128xf32, #tpu.memory_space<hbm>>) target(%arg13 : memref<64x128xf32, #tpu.memory_space<vmem>>) offsets(%dma_start3A_42 : memref<64xi32, #tpu.memory_space<vmem>>) semaphore(%arg18 : memref<!tpu.dma_semaphore, #tpu.memory_space<semaphore_mem>>)
    %add3A_46 = arith.constant 192 : i32
    %add3A_47 = arith.addi %mul3A_2, %add3A_46 : i32
    %dma_start3A_48 = tpu.memref_slice %arg3[%add3A_47] : memref<327680xi32, #tpu.memory_space<hbm>> -> memref<64xi32, #tpu.memory_space<hbm>>
    %dma_start3A_49 = tpu.memref_slice %arg3[%add3A_47] : memref<327680xi32, #tpu.memory_space<hbm>> -> memref<64xi32, #tpu.memory_space<hbm>>
    tpu.enqueue_dma source(%dma_start3A_49 : memref<64xi32, #tpu.memory_space<hbm>>) target(%arg10 : memref<64xi32, #tpu.memory_space<vmem>>) target_semaphore(%arg19 : memref<!tpu.dma_semaphore, #tpu.memory_space<semaphore_mem>>)
    %dma_start3A_50 = arith.constant 192 : i32
    %dma_start3A_51 = tpu.memref_slice %arg6[%dma_start3A_50] : memref<10240xi32, #tpu.memory_space<vmem>> -> memref<64xi32, #tpu.memory_space<vmem>>
    %dma_start3A_52 = arith.constant 0 : i32
    %dma_start3A_53 = arith.constant 0 : i32
    %dma_start3A_54 = tpu.memref_slice %arg4[%dma_start3A_52, %dma_start3A_53] : memref<10240x128xf32, #tpu.memory_space<hbm>> -> memref<10240x128xf32, #tpu.memory_space<hbm>>
    tpu.enqueue_indirect_dma source(%dma_start3A_54 : memref<10240x128xf32, #tpu.memory_space<hbm>>) target(%arg14 : memref<64x128xf32, #tpu.memory_space<vmem>>) offsets(%dma_start3A_51 : memref<64xi32, #tpu.memory_space<vmem>>) semaphore(%arg19 : memref<!tpu.dma_semaphore, #tpu.memory_space<semaphore_mem>>)
    %barrier3A = arith.constant 0 : index
    tpu.barrier barrier_id(%barrier3A)
    %scan3A_55 = arith.constant 0 : i32
    %scan3A_56 = arith.constant 40 : i32
    %scan3A_57 = arith.addi %scan3A_55, %scan3A_56 : i32
    %scan3A_58 = arith.constant 1 : i32
    scf.for %scan3A_65 = %scan3A_55 to %scan3A_57 step %scan3A_58  : i32 {
      %mul3A_66 = arith.constant 4 : i32
      %mul3A_67 = arith.muli %scan3A_65, %mul3A_66 : i32
      %add3A_68 = arith.constant 0 : i32
      %add3A_69 = arith.addi %add3A_68, %mul3A_67 : i32
      %add3A_70 = arith.constant 0 : i32
      %add3A_71 = arith.addi %add3A_69, %add3A_70 : i32
      %dma_wait3A_72 = tpu.memref_slice %arg3[%mul3A_2] : memref<327680xi32, #tpu.memory_space<hbm>> -> memref<64xi32, #tpu.memory_space<hbm>>
      %dma_wait3A_73 = tpu.memref_slice %arg3[%mul3A_2] : memref<327680xi32, #tpu.memory_space<hbm>> -> memref<64xi32, #tpu.memory_space<hbm>>
      tpu.wait_dma2 semaphore(%arg16 : memref<!tpu.dma_semaphore, #tpu.memory_space<semaphore_mem>>) src(%dma_wait3A_73 : memref<64xi32, #tpu.memory_space<hbm>>) dst(%arg7 : memref<64xi32, #tpu.memory_space<vmem>>)
      %dma_wait3A_74 = arith.constant 0 : i32
      %dma_wait3A_75 = tpu.memref_slice %arg6[%dma_wait3A_74] : memref<10240xi32, #tpu.memory_space<vmem>> -> memref<64xi32, #tpu.memory_space<vmem>>
      %dma_wait3A_76 = arith.constant 0 : i32
      %dma_wait3A_77 = arith.constant 0 : i32
      %dma_wait3A_78 = tpu.memref_slice %arg4[%dma_wait3A_76, %dma_wait3A_77] : memref<10240x128xf32, #tpu.memory_space<hbm>> -> memref<10240x128xf32, #tpu.memory_space<hbm>>
      tpu.wait_indirect_dma semaphore(%arg16 : memref<!tpu.dma_semaphore, #tpu.memory_space<semaphore_mem>>) src(%dma_wait3A_78 : memref<10240x128xf32, #tpu.memory_space<hbm>>) dst(%arg11 : memref<64x128xf32, #tpu.memory_space<vmem>>)
      "tpu.region"() ({
        %run_scoped3A = tpu.sem_alloc : memref<!tpu.dma_semaphore, #tpu.memory_space<semaphore_mem>>
        %dma_start3A_131 = arith.constant 0 : i32
        %dma_start3A_132 = arith.constant 0 : i32
        %dma_start3A_133 = tpu.memref_slice %arg15[%dma_start3A_131, %dma_start3A_132] : memref<10240x128xf32, #tpu.memory_space<vmem_shared>> -> memref<10240x128xf32, #tpu.memory_space<vmem_shared>>
        tpu.enqueue_indirect_dma source(%arg11 : memref<64x128xf32, #tpu.memory_space<vmem>>) target(%dma_start3A_133 : memref<10240x128xf32, #tpu.memory_space<vmem_shared>>) offsets(%arg7 : memref<64xi32, #tpu.memory_space<vmem>>) semaphore(%run_scoped3A : memref<!tpu.dma_semaphore, #tpu.memory_space<semaphore_mem>>) {add = true}
        %dma_wait3A_134 = arith.constant 0 : i32
        %dma_wait3A_135 = arith.constant 0 : i32
        %dma_wait3A_136 = tpu.memref_slice %arg15[%dma_wait3A_134, %dma_wait3A_135] : memref<10240x128xf32, #tpu.memory_space<vmem_shared>> -> memref<10240x128xf32, #tpu.memory_space<vmem_shared>>
        tpu.wait_indirect_dma semaphore(%run_scoped3A : memref<!tpu.dma_semaphore, #tpu.memory_space<semaphore_mem>>) src(%arg11 : memref<64x128xf32, #tpu.memory_space<vmem>>) dst(%dma_wait3A_136 : memref<10240x128xf32, #tpu.memory_space<vmem_shared>>)
        tpu.yield
      }) : () -> ()
      %add3A_79 = arith.constant 4 : i32
      %add3A_80 = arith.addi %add3A_71, %add3A_79 : i32
      %lt3A = arith.constant 160 : i32
      %lt3A_81 = arith.cmpi slt, %add3A_80, %lt3A : i32
      %convert_element_type3A = arith.extui %lt3A_81 : i1 to i32
      %cond3A = arith.constant 0 : i32
      %cond3A_82 = arith.cmpi ne, %convert_element_type3A, %cond3A : i32
      scf.if %cond3A_82 {
        %add3A_131 = arith.constant 4 : i32
        %add3A_132 = arith.addi %add3A_71, %add3A_131 : i32
        %mul3A_133 = arith.constant 64 : i32
        %mul3A_134 = arith.muli %add3A_132, %mul3A_133 : i32
        %add3A_135 = arith.addi %mul3A_2, %mul3A_134 : i32
        %dma_start3A_136 = tpu.memref_slice %arg3[%add3A_135] : memref<327680xi32, #tpu.memory_space<hbm>> -> memref<64xi32, #tpu.memory_space<hbm>>
        %dma_start3A_137 = tpu.memref_slice %arg3[%add3A_135] : memref<327680xi32, #tpu.memory_space<hbm>> -> memref<64xi32, #tpu.memory_space<hbm>>
        tpu.enqueue_dma source(%dma_start3A_137 : memref<64xi32, #tpu.memory_space<hbm>>) target(%arg7 : memref<64xi32, #tpu.memory_space<vmem>>) target_semaphore(%arg16 : memref<!tpu.dma_semaphore, #tpu.memory_space<semaphore_mem>>)
        %mul3A_138 = arith.constant 64 : i32
        %mul3A_139 = arith.muli %add3A_132, %mul3A_138 : i32
        %dma_start3A_140 = tpu.memref_slice %arg6[%mul3A_139] : memref<10240xi32, #tpu.memory_space<vmem>> -> memref<64xi32, #tpu.memory_space<vmem>>
        %dma_start3A_141 = arith.constant 0 : i32
        %dma_start3A_142 = arith.constant 0 : i32
        %dma_start3A_143 = tpu.memref_slice %arg4[%dma_start3A_141, %dma_start3A_142] : memref<10240x128xf32, #tpu.memory_space<hbm>> -> memref<10240x128xf32, #tpu.memory_space<hbm>>
        tpu.enqueue_indirect_dma source(%dma_start3A_143 : memref<10240x128xf32, #tpu.memory_space<hbm>>) target(%arg11 : memref<64x128xf32, #tpu.memory_space<vmem>>) offsets(%dma_start3A_140 : memref<64xi32, #tpu.memory_space<vmem>>) semaphore(%arg16 : memref<!tpu.dma_semaphore, #tpu.memory_space<semaphore_mem>>)
      } else {
      }
      %add3A_83 = arith.constant 1 : i32
      %add3A_84 = arith.addi %add3A_69, %add3A_83 : i32
      %dma_wait3A_85 = tpu.memref_slice %arg3[%mul3A_2] : memref<327680xi32, #tpu.memory_space<hbm>> -> memref<64xi32, #tpu.memory_space<hbm>>
      %dma_wait3A_86 = tpu.memref_slice %arg3[%mul3A_2] : memref<327680xi32, #tpu.memory_space<hbm>> -> memref<64xi32, #tpu.memory_space<hbm>>
      tpu.wait_dma2 semaphore(%arg17 : memref<!tpu.dma_semaphore, #tpu.memory_space<semaphore_mem>>) src(%dma_wait3A_86 : memref<64xi32, #tpu.memory_space<hbm>>) dst(%arg8 : memref<64xi32, #tpu.memory_space<vmem>>)
      %dma_wait3A_87 = arith.constant 0 : i32
      %dma_wait3A_88 = tpu.memref_slice %arg6[%dma_wait3A_87] : memref<10240xi32, #tpu.memory_space<vmem>> -> memref<64xi32, #tpu.memory_space<vmem>>
      %dma_wait3A_89 = arith.constant 0 : i32
      %dma_wait3A_90 = arith.constant 0 : i32
      %dma_wait3A_91 = tpu.memref_slice %arg4[%dma_wait3A_89, %dma_wait3A_90] : memref<10240x128xf32, #tpu.memory_space<hbm>> -> memref<10240x128xf32, #tpu.memory_space<hbm>>
      tpu.wait_indirect_dma semaphore(%arg17 : memref<!tpu.dma_semaphore, #tpu.memory_space<semaphore_mem>>) src(%dma_wait3A_91 : memref<10240x128xf32, #tpu.memory_space<hbm>>) dst(%arg12 : memref<64x128xf32, #tpu.memory_space<vmem>>)
      "tpu.region"() ({
        %run_scoped3A = tpu.sem_alloc : memref<!tpu.dma_semaphore, #tpu.memory_space<semaphore_mem>>
        %dma_start3A_131 = arith.constant 0 : i32
        %dma_start3A_132 = arith.constant 0 : i32
        %dma_start3A_133 = tpu.memref_slice %arg15[%dma_start3A_131, %dma_start3A_132] : memref<10240x128xf32, #tpu.memory_space<vmem_shared>> -> memref<10240x128xf32, #tpu.memory_space<vmem_shared>>
        tpu.enqueue_indirect_dma source(%arg12 : memref<64x128xf32, #tpu.memory_space<vmem>>) target(%dma_start3A_133 : memref<10240x128xf32, #tpu.memory_space<vmem_shared>>) offsets(%arg8 : memref<64xi32, #tpu.memory_space<vmem>>) semaphore(%run_scoped3A : memref<!tpu.dma_semaphore, #tpu.memory_space<semaphore_mem>>) {add = true}
        %dma_wait3A_134 = arith.constant 0 : i32
        %dma_wait3A_135 = arith.constant 0 : i32
        %dma_wait3A_136 = tpu.memref_slice %arg15[%dma_wait3A_134, %dma_wait3A_135] : memref<10240x128xf32, #tpu.memory_space<vmem_shared>> -> memref<10240x128xf32, #tpu.memory_space<vmem_shared>>
        tpu.wait_indirect_dma semaphore(%run_scoped3A : memref<!tpu.dma_semaphore, #tpu.memory_space<semaphore_mem>>) src(%arg12 : memref<64x128xf32, #tpu.memory_space<vmem>>) dst(%dma_wait3A_136 : memref<10240x128xf32, #tpu.memory_space<vmem_shared>>)
        tpu.yield
      }) : () -> ()
      %add3A_92 = arith.constant 4 : i32
      %add3A_93 = arith.addi %add3A_84, %add3A_92 : i32
      %lt3A_94 = arith.constant 160 : i32
      %lt3A_95 = arith.cmpi slt, %add3A_93, %lt3A_94 : i32
      %convert_element_type3A_96 = arith.extui %lt3A_95 : i1 to i32
      %cond3A_97 = arith.constant 0 : i32
      %cond3A_98 = arith.cmpi ne, %convert_element_type3A_96, %cond3A_97 : i32
      scf.if %cond3A_98 {
        %add3A_131 = arith.constant 4 : i32
        %add3A_132 = arith.addi %add3A_84, %add3A_131 : i32
        %mul3A_133 = arith.constant 64 : i32
        %mul3A_134 = arith.muli %add3A_132, %mul3A_133 : i32
        %add3A_135 = arith.addi %mul3A_2, %mul3A_134 : i32
        %dma_start3A_136 = tpu.memref_slice %arg3[%add3A_135] : memref<327680xi32, #tpu.memory_space<hbm>> -> memref<64xi32, #tpu.memory_space<hbm>>
        %dma_start3A_137 = tpu.memref_slice %arg3[%add3A_135] : memref<327680xi32, #tpu.memory_space<hbm>> -> memref<64xi32, #tpu.memory_space<hbm>>
        tpu.enqueue_dma source(%dma_start3A_137 : memref<64xi32, #tpu.memory_space<hbm>>) target(%arg8 : memref<64xi32, #tpu.memory_space<vmem>>) target_semaphore(%arg17 : memref<!tpu.dma_semaphore, #tpu.memory_space<semaphore_mem>>)
        %mul3A_138 = arith.constant 64 : i32
        %mul3A_139 = arith.muli %add3A_132, %mul3A_138 : i32
        %dma_start3A_140 = tpu.memref_slice %arg6[%mul3A_139] : memref<10240xi32, #tpu.memory_space<vmem>> -> memref<64xi32, #tpu.memory_space<vmem>>
        %dma_start3A_141 = arith.constant 0 : i32
        %dma_start3A_142 = arith.constant 0 : i32
        %dma_start3A_143 = tpu.memref_slice %arg4[%dma_start3A_141, %dma_start3A_142] : memref<10240x128xf32, #tpu.memory_space<hbm>> -> memref<10240x128xf32, #tpu.memory_space<hbm>>
        tpu.enqueue_indirect_dma source(%dma_start3A_143 : memref<10240x128xf32, #tpu.memory_space<hbm>>) target(%arg12 : memref<64x128xf32, #tpu.memory_space<vmem>>) offsets(%dma_start3A_140 : memref<64xi32, #tpu.memory_space<vmem>>) semaphore(%arg17 : memref<!tpu.dma_semaphore, #tpu.memory_space<semaphore_mem>>)
      } else {
      }
      %add3A_99 = arith.constant 2 : i32
      %add3A_100 = arith.addi %add3A_69, %add3A_99 : i32
      %dma_wait3A_101 = tpu.memref_slice %arg3[%mul3A_2] : memref<327680xi32, #tpu.memory_space<hbm>> -> memref<64xi32, #tpu.memory_space<hbm>>
      %dma_wait3A_102 = tpu.memref_slice %arg3[%mul3A_2] : memref<327680xi32, #tpu.memory_space<hbm>> -> memref<64xi32, #tpu.memory_space<hbm>>
      tpu.wait_dma2 semaphore(%arg18 : memref<!tpu.dma_semaphore, #tpu.memory_space<semaphore_mem>>) src(%dma_wait3A_102 : memref<64xi32, #tpu.memory_space<hbm>>) dst(%arg9 : memref<64xi32, #tpu.memory_space<vmem>>)
      %dma_wait3A_103 = arith.constant 0 : i32
      %dma_wait3A_104 = tpu.memref_slice %arg6[%dma_wait3A_103] : memref<10240xi32, #tpu.memory_space<vmem>> -> memref<64xi32, #tpu.memory_space<vmem>>
      %dma_wait3A_105 = arith.constant 0 : i32
      %dma_wait3A_106 = arith.constant 0 : i32
      %dma_wait3A_107 = tpu.memref_slice %arg4[%dma_wait3A_105, %dma_wait3A_106] : memref<10240x128xf32, #tpu.memory_space<hbm>> -> memref<10240x128xf32, #tpu.memory_space<hbm>>
      tpu.wait_indirect_dma semaphore(%arg18 : memref<!tpu.dma_semaphore, #tpu.memory_space<semaphore_mem>>) src(%dma_wait3A_107 : memref<10240x128xf32, #tpu.memory_space<hbm>>) dst(%arg13 : memref<64x128xf32, #tpu.memory_space<vmem>>)
      "tpu.region"() ({
        %run_scoped3A = tpu.sem_alloc : memref<!tpu.dma_semaphore, #tpu.memory_space<semaphore_mem>>
        %dma_start3A_131 = arith.constant 0 : i32
        %dma_start3A_132 = arith.constant 0 : i32
        %dma_start3A_133 = tpu.memref_slice %arg15[%dma_start3A_131, %dma_start3A_132] : memref<10240x128xf32, #tpu.memory_space<vmem_shared>> -> memref<10240x128xf32, #tpu.memory_space<vmem_shared>>
        tpu.enqueue_indirect_dma source(%arg13 : memref<64x128xf32, #tpu.memory_space<vmem>>) target(%dma_start3A_133 : memref<10240x128xf32, #tpu.memory_space<vmem_shared>>) offsets(%arg9 : memref<64xi32, #tpu.memory_space<vmem>>) semaphore(%run_scoped3A : memref<!tpu.dma_semaphore, #tpu.memory_space<semaphore_mem>>) {add = true}
        %dma_wait3A_134 = arith.constant 0 : i32
        %dma_wait3A_135 = arith.constant 0 : i32
        %dma_wait3A_136 = tpu.memref_slice %arg15[%dma_wait3A_134, %dma_wait3A_135] : memref<10240x128xf32, #tpu.memory_space<vmem_shared>> -> memref<10240x128xf32, #tpu.memory_space<vmem_shared>>
        tpu.wait_indirect_dma semaphore(%run_scoped3A : memref<!tpu.dma_semaphore, #tpu.memory_space<semaphore_mem>>) src(%arg13 : memref<64x128xf32, #tpu.memory_space<vmem>>) dst(%dma_wait3A_136 : memref<10240x128xf32, #tpu.memory_space<vmem_shared>>)
        tpu.yield
      }) : () -> ()
      %add3A_108 = arith.constant 4 : i32
      %add3A_109 = arith.addi %add3A_100, %add3A_108 : i32
      %lt3A_110 = arith.constant 160 : i32
      %lt3A_111 = arith.cmpi slt, %add3A_109, %lt3A_110 : i32
      %convert_element_type3A_112 = arith.extui %lt3A_111 : i1 to i32
      %cond3A_113 = arith.constant 0 : i32
      %cond3A_114 = arith.cmpi ne, %convert_element_type3A_112, %cond3A_113 : i32
      scf.if %cond3A_114 {
        %add3A_131 = arith.constant 4 : i32
        %add3A_132 = arith.addi %add3A_100, %add3A_131 : i32
        %mul3A_133 = arith.constant 64 : i32
        %mul3A_134 = arith.muli %add3A_132, %mul3A_133 : i32
        %add3A_135 = arith.addi %mul3A_2, %mul3A_134 : i32
        %dma_start3A_136 = tpu.memref_slice %arg3[%add3A_135] : memref<327680xi32, #tpu.memory_space<hbm>> -> memref<64xi32, #tpu.memory_space<hbm>>
        %dma_start3A_137 = tpu.memref_slice %arg3[%add3A_135] : memref<327680xi32, #tpu.memory_space<hbm>> -> memref<64xi32, #tpu.memory_space<hbm>>
        tpu.enqueue_dma source(%dma_start3A_137 : memref<64xi32, #tpu.memory_space<hbm>>) target(%arg9 : memref<64xi32, #tpu.memory_space<vmem>>) target_semaphore(%arg18 : memref<!tpu.dma_semaphore, #tpu.memory_space<semaphore_mem>>)
        %mul3A_138 = arith.constant 64 : i32
        %mul3A_139 = arith.muli %add3A_132, %mul3A_138 : i32
        %dma_start3A_140 = tpu.memref_slice %arg6[%mul3A_139] : memref<10240xi32, #tpu.memory_space<vmem>> -> memref<64xi32, #tpu.memory_space<vmem>>
        %dma_start3A_141 = arith.constant 0 : i32
        %dma_start3A_142 = arith.constant 0 : i32
        %dma_start3A_143 = tpu.memref_slice %arg4[%dma_start3A_141, %dma_start3A_142] : memref<10240x128xf32, #tpu.memory_space<hbm>> -> memref<10240x128xf32, #tpu.memory_space<hbm>>
        tpu.enqueue_indirect_dma source(%dma_start3A_143 : memref<10240x128xf32, #tpu.memory_space<hbm>>) target(%arg13 : memref<64x128xf32, #tpu.memory_space<vmem>>) offsets(%dma_start3A_140 : memref<64xi32, #tpu.memory_space<vmem>>) semaphore(%arg18 : memref<!tpu.dma_semaphore, #tpu.memory_space<semaphore_mem>>)
      } else {
      }
      %add3A_115 = arith.constant 3 : i32
      %add3A_116 = arith.addi %add3A_69, %add3A_115 : i32
      %dma_wait3A_117 = tpu.memref_slice %arg3[%mul3A_2] : memref<327680xi32, #tpu.memory_space<hbm>> -> memref<64xi32, #tpu.memory_space<hbm>>
      %dma_wait3A_118 = tpu.memref_slice %arg3[%mul3A_2] : memref<327680xi32, #tpu.memory_space<hbm>> -> memref<64xi32, #tpu.memory_space<hbm>>
      tpu.wait_dma2 semaphore(%arg19 : memref<!tpu.dma_semaphore, #tpu.memory_space<semaphore_mem>>) src(%dma_wait3A_118 : memref<64xi32, #tpu.memory_space<hbm>>) dst(%arg10 : memref<64xi32, #tpu.memory_space<vmem>>)
      %dma_wait3A_119 = arith.constant 0 : i32
      %dma_wait3A_120 = tpu.memref_slice %arg6[%dma_wait3A_119] : memref<10240xi32, #tpu.memory_space<vmem>> -> memref<64xi32, #tpu.memory_space<vmem>>
      %dma_wait3A_121 = arith.constant 0 : i32
      %dma_wait3A_122 = arith.constant 0 : i32
      %dma_wait3A_123 = tpu.memref_slice %arg4[%dma_wait3A_121, %dma_wait3A_122] : memref<10240x128xf32, #tpu.memory_space<hbm>> -> memref<10240x128xf32, #tpu.memory_space<hbm>>
      tpu.wait_indirect_dma semaphore(%arg19 : memref<!tpu.dma_semaphore, #tpu.memory_space<semaphore_mem>>) src(%dma_wait3A_123 : memref<10240x128xf32, #tpu.memory_space<hbm>>) dst(%arg14 : memref<64x128xf32, #tpu.memory_space<vmem>>)
      "tpu.region"() ({
        %run_scoped3A = tpu.sem_alloc : memref<!tpu.dma_semaphore, #tpu.memory_space<semaphore_mem>>
        %dma_start3A_131 = arith.constant 0 : i32
        %dma_start3A_132 = arith.constant 0 : i32
        %dma_start3A_133 = tpu.memref_slice %arg15[%dma_start3A_131, %dma_start3A_132] : memref<10240x128xf32, #tpu.memory_space<vmem_shared>> -> memref<10240x128xf32, #tpu.memory_space<vmem_shared>>
        tpu.enqueue_indirect_dma source(%arg14 : memref<64x128xf32, #tpu.memory_space<vmem>>) target(%dma_start3A_133 : memref<10240x128xf32, #tpu.memory_space<vmem_shared>>) offsets(%arg10 : memref<64xi32, #tpu.memory_space<vmem>>) semaphore(%run_scoped3A : memref<!tpu.dma_semaphore, #tpu.memory_space<semaphore_mem>>) {add = true}
        %dma_wait3A_134 = arith.constant 0 : i32
        %dma_wait3A_135 = arith.constant 0 : i32
        %dma_wait3A_136 = tpu.memref_slice %arg15[%dma_wait3A_134, %dma_wait3A_135] : memref<10240x128xf32, #tpu.memory_space<vmem_shared>> -> memref<10240x128xf32, #tpu.memory_space<vmem_shared>>
        tpu.wait_indirect_dma semaphore(%run_scoped3A : memref<!tpu.dma_semaphore, #tpu.memory_space<semaphore_mem>>) src(%arg14 : memref<64x128xf32, #tpu.memory_space<vmem>>) dst(%dma_wait3A_136 : memref<10240x128xf32, #tpu.memory_space<vmem_shared>>)
        tpu.yield
      }) : () -> ()
      %add3A_124 = arith.constant 4 : i32
      %add3A_125 = arith.addi %add3A_116, %add3A_124 : i32
      %lt3A_126 = arith.constant 160 : i32
      %lt3A_127 = arith.cmpi slt, %add3A_125, %lt3A_126 : i32
      %convert_element_type3A_128 = arith.extui %lt3A_127 : i1 to i32
      %cond3A_129 = arith.constant 0 : i32
      %cond3A_130 = arith.cmpi ne, %convert_element_type3A_128, %cond3A_129 : i32
      scf.if %cond3A_130 {
        %add3A_131 = arith.constant 4 : i32
        %add3A_132 = arith.addi %add3A_116, %add3A_131 : i32
        %mul3A_133 = arith.constant 64 : i32
        %mul3A_134 = arith.muli %add3A_132, %mul3A_133 : i32
        %add3A_135 = arith.addi %mul3A_2, %mul3A_134 : i32
        %dma_start3A_136 = tpu.memref_slice %arg3[%add3A_135] : memref<327680xi32, #tpu.memory_space<hbm>> -> memref<64xi32, #tpu.memory_space<hbm>>
        %dma_start3A_137 = tpu.memref_slice %arg3[%add3A_135] : memref<327680xi32, #tpu.memory_space<hbm>> -> memref<64xi32, #tpu.memory_space<hbm>>
        tpu.enqueue_dma source(%dma_start3A_137 : memref<64xi32, #tpu.memory_space<hbm>>) target(%arg10 : memref<64xi32, #tpu.memory_space<vmem>>) target_semaphore(%arg19 : memref<!tpu.dma_semaphore, #tpu.memory_space<semaphore_mem>>)
        %mul3A_138 = arith.constant 64 : i32
        %mul3A_139 = arith.muli %add3A_132, %mul3A_138 : i32
        %dma_start3A_140 = tpu.memref_slice %arg6[%mul3A_139] : memref<10240xi32, #tpu.memory_space<vmem>> -> memref<64xi32, #tpu.memory_space<vmem>>
        %dma_start3A_141 = arith.constant 0 : i32
        %dma_start3A_142 = arith.constant 0 : i32
        %dma_start3A_143 = tpu.memref_slice %arg4[%dma_start3A_141, %dma_start3A_142] : memref<10240x128xf32, #tpu.memory_space<hbm>> -> memref<10240x128xf32, #tpu.memory_space<hbm>>
        tpu.enqueue_indirect_dma source(%dma_start3A_143 : memref<10240x128xf32, #tpu.memory_space<hbm>>) target(%arg14 : memref<64x128xf32, #tpu.memory_space<vmem>>) offsets(%dma_start3A_140 : memref<64xi32, #tpu.memory_space<vmem>>) semaphore(%arg19 : memref<!tpu.dma_semaphore, #tpu.memory_space<semaphore_mem>>)
      } else {
      }
    }
    %scan3A_59 = arith.constant 40 : i32
    %barrier3A_60 = arith.constant 0 : index
    tpu.barrier barrier_id(%barrier3A_60)
    %mul3A_61 = arith.constant 640 : i32
    %mul3A_62 = arith.muli %arg1, %mul3A_61 : i32
    %mul3A_63 = arith.constant 640 : i32
    %mul3A_64 = arith.muli %arg1, %mul3A_63 : i32
    "tpu.region"() ({
      %run_scoped3A = tpu.sem_alloc : memref<!tpu.dma_semaphore, #tpu.memory_space<semaphore_mem>>
      %dma_start3A_65 = arith.constant 0 : i32
      %dma_start3A_66 = tpu.memref_slice %arg5[%arg0, %mul3A_64, %dma_start3A_65] : memref<2x10240x128xf32, #tpu.memory_space<hbm>> -> memref<1x640x128xf32, #tpu.memory_space<hbm>>
      %dma_start3A_67 = tpu.memref_squeeze %dma_start3A_66 : memref<1x640x128xf32, #tpu.memory_space<hbm>> -> memref<640x128xf32, #tpu.memory_space<hbm>>
      %dma_start3A_68 = arith.constant 0 : i32
      %dma_start3A_69 = tpu.memref_slice %arg15[%mul3A_62, %dma_start3A_68] : memref<10240x128xf32, #tpu.memory_space<vmem_shared>> -> memref<640x128xf32, #tpu.memory_space<vmem_shared>>
      tpu.enqueue_dma source(%dma_start3A_69 : memref<640x128xf32, #tpu.memory_space<vmem_shared>>) target(%dma_start3A_67 : memref<640x128xf32, #tpu.memory_space<hbm>>) target_semaphore(%run_scoped3A : memref<!tpu.dma_semaphore, #tpu.memory_space<semaphore_mem>>)
      %dma_wait3A_70 = arith.constant 0 : i32
      %dma_wait3A_71 = tpu.memref_slice %arg5[%arg0, %mul3A_64, %dma_wait3A_70] : memref<2x10240x128xf32, #tpu.memory_space<hbm>> -> memref<1x640x128xf32, #tpu.memory_space<hbm>>
      %dma_wait3A_72 = tpu.memref_squeeze %dma_wait3A_71 : memref<1x640x128xf32, #tpu.memory_space<hbm>> -> memref<640x128xf32, #tpu.memory_space<hbm>>
      %dma_wait3A_73 = arith.constant 0 : i32
      %dma_wait3A_74 = tpu.memref_slice %arg15[%mul3A_62, %dma_wait3A_73] : memref<10240x128xf32, #tpu.memory_space<vmem_shared>> -> memref<640x128xf32, #tpu.memory_space<vmem_shared>>
      tpu.wait_dma2 semaphore(%run_scoped3A : memref<!tpu.dma_semaphore, #tpu.memory_space<semaphore_mem>>) src(%dma_wait3A_74 : memref<640x128xf32, #tpu.memory_space<vmem_shared>>) dst(%dma_wait3A_72 : memref<640x128xf32, #tpu.memory_space<hbm>>)
      tpu.yield
    }) : () -> ()
    return
  }
}

module attributes {stable_mosaic.version = 14 : i64} {
  func.func @_mm_scale_body(%arg0: i32, %arg1: memref<2x1024xf32, #tpu.memory_space<vmem>>, %arg2: memref<1024x128xf32, #tpu.memory_space<vmem>>, %arg3: memref<128x128xf32, #tpu.memory_space<vmem>>, %arg4: memref<1024x128xf32, #tpu.memory_space<vmem>>, %arg5: memref<1024x1xf32, #tpu.memory_space<vmem>>) attributes {dimension_semantics = [#tpu.dimension_semantics<arbitrary>], iteration_bounds = array<i64: 10>, scalar_prefetch = 0 : i64, scratch_operands = 0 : i64, tpu.core_type = #tpu.core_type<tc>, window_params = [{transform_indices = @transform_0, window_bounds = array<i64: 2, 1024>}, {transform_indices = @transform_1, window_bounds = array<i64: 1024, 128>}, {pipeline_mode = #tpu.pipeline_mode<synchronous>, transform_indices = @transform_2, window_bounds = array<i64: 128, 128>}, {transform_indices = @transform_3, window_bounds = array<i64: 1024, 128>}, {transform_indices = @transform_4, window_bounds = array<i64: 1024, 1>}]} {
    %get3A = arith.constant 0 : index
    %get3A_0 = arith.constant 0 : index
    %get3A_1 = vector.load %arg1[%get3A, %get3A_0] : memref<2x1024xf32, #tpu.memory_space<vmem>>, vector<1x1024xf32>
    %get3A_2 = vector.shape_cast %get3A_1 : vector<1x1024xf32> to vector<1024xf32>
    %get3A_3 = arith.constant 1 : index
    %get3A_4 = arith.constant 0 : index
    %get3A_5 = vector.load %arg1[%get3A_3, %get3A_4] : memref<2x1024xf32, #tpu.memory_space<vmem>>, vector<1x1024xf32>
    %get3A_6 = vector.shape_cast %get3A_5 : vector<1x1024xf32> to vector<1024xf32>
    %add3A = arith.addf %get3A_2, %get3A_6 : vector<1024xf32>
    %add3A_7 = arith.constant 1.000000e+00 : f32
    %add3A_8 = vector.broadcast %add3A_7 : f32 to vector<1024xf32>
    %add3A_9 = arith.addf %add3A, %add3A_8 : vector<1024xf32>
    %rsqrt3A = math.rsqrt %add3A_9 : vector<1024xf32>
    %get3A_10 = arith.constant 0 : index
    %get3A_11 = arith.constant 0 : index
    %get3A_12 = vector.load %arg2[%get3A_10, %get3A_11] : memref<1024x128xf32, #tpu.memory_space<vmem>>, vector<1024x128xf32>
    %get3A_13 = arith.constant 0 : index
    %get3A_14 = arith.constant 0 : index
    %get3A_15 = vector.load %arg3[%get3A_13, %get3A_14] : memref<128x128xf32, #tpu.memory_space<vmem>>, vector<128x128xf32>
    %dot_general3A = arith.constant dense<0.000000e+00> : vector<1024x128xf32>
    %dot_general3A_16 = tpu.matmul %get3A_12, %get3A_15, %dot_general3A {dimension_numbers = #tpu.dot_dimension_numbers<[1], [0], [0], [1], [0, 0, 1, 1], [], []>, transpose_lhs_hint = false} : vector<1024x128xf32>, vector<128x128xf32>, vector<1024x128xf32> -> vector<1024x128xf32>
    %broadcast_in_dim3A = vector.shape_cast %rsqrt3A : vector<1024xf32> to vector<1024x1xf32>
    %mul3A = vector.broadcast %broadcast_in_dim3A : vector<1024x1xf32> to vector<1024x128xf32>
    %mul3A_17 = arith.mulf %dot_general3A_16, %mul3A : vector<1024x128xf32>
    %swap3A = arith.constant 0 : index
    %swap3A_18 = arith.constant 0 : index
    %swap3A_19 = vector.load %arg4[%swap3A, %swap3A_18] : memref<1024x128xf32, #tpu.memory_space<vmem>>, vector<1024x128xf32>
    tpu.vector_store %arg4[%swap3A, %swap3A_18], %mul3A_17 {strides = array<i32>} : memref<1024x128xf32, #tpu.memory_space<vmem>>, vector<1024x128xf32>,
    %broadcast_in_dim3A_20 = vector.shape_cast %rsqrt3A : vector<1024xf32> to vector<1024x1xf32>
    %swap3A_21 = arith.constant 0 : index
    %swap3A_22 = arith.constant 0 : index
    %swap3A_23 = vector.load %arg5[%swap3A_21, %swap3A_22] : memref<1024x1xf32, #tpu.memory_space<vmem>>, vector<1024x1xf32>
    tpu.vector_store %arg5[%swap3A_21, %swap3A_22], %broadcast_in_dim3A_20 {strides = array<i32>} : memref<1024x1xf32, #tpu.memory_space<vmem>>, vector<1024x1xf32>,
    return
  }
  func.func @transform_0(%arg0: i32) -> (i32, i32) {
    %c0_i32 = arith.constant 0 : i32
    %c0_i32_0 = arith.constant 0 : i32
    return %c0_i32, %arg0 : i32, i32
  }
  func.func @transform_1(%arg0: i32) -> (i32, i32) {
    %c0_i32 = arith.constant 0 : i32
    %c0_i32_0 = arith.constant 0 : i32
    return %arg0, %c0_i32 : i32, i32
  }
  func.func @transform_2(%arg0: i32) -> (i32, i32) {
    %c0_i32 = arith.constant 0 : i32
    %c0_i32_0 = arith.constant 0 : i32
    %c0_i32_1 = arith.constant 0 : i32
    return %c0_i32, %c0_i32_0 : i32, i32
  }
  func.func @transform_3(%arg0: i32) -> (i32, i32) {
    %c0_i32 = arith.constant 0 : i32
    %c0_i32_0 = arith.constant 0 : i32
    return %arg0, %c0_i32 : i32, i32
  }
  func.func @transform_4(%arg0: i32) -> (i32, i32) {
    %c0_i32 = arith.constant 0 : i32
    %c0_i32_0 = arith.constant 0 : i32
    return %arg0, %c0_i32 : i32, i32
  }
}

module attributes {stable_mosaic.version = 14 : i64} {
  func.func @_layer2_body(%arg0: i32, %arg1: memref<2x1024x128xf32, #tpu.memory_space<vmem>>, %arg2: memref<1024x128xf32, #tpu.memory_space<vmem>>, %arg3: memref<1024x1xf32, #tpu.memory_space<vmem>>, %arg4: memref<1x128xf32, #tpu.memory_space<vmem>>, %arg5: memref<128x1xf32, #tpu.memory_space<vmem>>, %arg6: memref<1024x1xf32, #tpu.memory_space<vmem>>) attributes {dimension_semantics = [#tpu.dimension_semantics<arbitrary>], iteration_bounds = array<i64: 10>, scalar_prefetch = 0 : i64, scratch_operands = 0 : i64, tpu.core_type = #tpu.core_type<tc>, window_params = [{transform_indices = @transform_0, window_bounds = array<i64: 2, 1024, 128>}, {transform_indices = @transform_1, window_bounds = array<i64: 1024, 128>}, {transform_indices = @transform_2, window_bounds = array<i64: 1024, 1>}, {pipeline_mode = #tpu.pipeline_mode<synchronous>, transform_indices = @transform_3, window_bounds = array<i64: 1, 128>}, {pipeline_mode = #tpu.pipeline_mode<synchronous>, transform_indices = @transform_4, window_bounds = array<i64: 128, 1>}, {transform_indices = @transform_5, window_bounds = array<i64: 1024, 1>}]} {
    %get3A = arith.constant 0 : index
    %get3A_0 = arith.constant 0 : index
    %get3A_1 = vector.load %arg3[%get3A, %get3A_0] : memref<1024x1xf32, #tpu.memory_space<vmem>>, vector<1024x1xf32>
    %get3A_2 = arith.constant 0 : index
    %get3A_3 = arith.constant 0 : index
    %get3A_4 = arith.constant 0 : index
    %get3A_5 = vector.load %arg1[%get3A_2, %get3A_3, %get3A_4] : memref<2x1024x128xf32, #tpu.memory_space<vmem>>, vector<1x1024x128xf32>
    %get3A_6 = vector.shape_cast %get3A_5 : vector<1x1024x128xf32> to vector<1024x128xf32>
    %get3A_7 = arith.constant 1 : index
    %get3A_8 = arith.constant 0 : index
    %get3A_9 = arith.constant 0 : index
    %get3A_10 = vector.load %arg1[%get3A_7, %get3A_8, %get3A_9] : memref<2x1024x128xf32, #tpu.memory_space<vmem>>, vector<1x1024x128xf32>
    %get3A_11 = vector.shape_cast %get3A_10 : vector<1x1024x128xf32> to vector<1024x128xf32>
    %add3A = arith.addf %get3A_6, %get3A_11 : vector<1024x128xf32>
    %get3A_12 = arith.constant 0 : index
    %get3A_13 = arith.constant 0 : index
    %get3A_14 = vector.load %arg2[%get3A_12, %get3A_13] : memref<1024x128xf32, #tpu.memory_space<vmem>>, vector<1024x128xf32>
    %add3A_15 = arith.addf %add3A, %get3A_14 : vector<1024x128xf32>
    %mul3A = vector.broadcast %get3A_1 : vector<1024x1xf32> to vector<1024x128xf32>
    %mul3A_16 = arith.mulf %mul3A, %add3A_15 : vector<1024x128xf32>
    %get3A_17 = arith.constant 0 : index
    %get3A_18 = arith.constant 0 : index
    %get3A_19 = vector.load %arg4[%get3A_17, %get3A_18] : memref<1x128xf32, #tpu.memory_space<vmem>>, vector<1x128xf32>
    %add3A_20 = vector.broadcast %get3A_19 : vector<1x128xf32> to vector<1024x128xf32>
    %add3A_21 = arith.addf %mul3A_16, %add3A_20 : vector<1024x128xf32>
    %max3A = arith.constant 0.000000e+00 : f32
    %max3A_22 = vector.broadcast %max3A : f32 to vector<1024x128xf32>
    %max3A_23 = arith.maximumf %add3A_21, %max3A_22 : vector<1024x128xf32>
    %get3A_24 = arith.constant 0 : index
    %get3A_25 = arith.constant 0 : index
    %get3A_26 = vector.load %arg5[%get3A_24, %get3A_25] : memref<128x1xf32, #tpu.memory_space<vmem>>, vector<128x1xf32>
    %dot_general3A = arith.constant dense<0.000000e+00> : vector<1024x1xf32>
    %dot_general3A_27 = tpu.matmul %max3A_23, %get3A_26, %dot_general3A {dimension_numbers = #tpu.dot_dimension_numbers<[1], [0], [0], [1], [0, 0, 1, 1], [], []>, transpose_lhs_hint = false} : vector<1024x128xf32>, vector<128x1xf32>, vector<1024x1xf32> -> vector<1024x1xf32>
    %mul3A_28 = arith.mulf %dot_general3A_27, %get3A_1 : vector<1024x1xf32>
    %swap3A = arith.constant 0 : index
    %swap3A_29 = arith.constant 0 : index
    %swap3A_30 = vector.load %arg6[%swap3A, %swap3A_29] : memref<1024x1xf32, #tpu.memory_space<vmem>>, vector<1024x1xf32>
    tpu.vector_store %arg6[%swap3A, %swap3A_29], %mul3A_28 {strides = array<i32>} : memref<1024x1xf32, #tpu.memory_space<vmem>>, vector<1024x1xf32>,
    return
  }
  func.func @transform_0(%arg0: i32) -> (i32, i32, i32) {
    %c0_i32 = arith.constant 0 : i32
    %c0_i32_0 = arith.constant 0 : i32
    %c0_i32_1 = arith.constant 0 : i32
    return %c0_i32, %arg0, %c0_i32_0 : i32, i32, i32
  }
  func.func @transform_1(%arg0: i32) -> (i32, i32) {
    %c0_i32 = arith.constant 0 : i32
    %c0_i32_0 = arith.constant 0 : i32
    return %arg0, %c0_i32 : i32, i32
  }
  func.func @transform_2(%arg0: i32) -> (i32, i32) {
    %c0_i32 = arith.constant 0 : i32
    %c0_i32_0 = arith.constant 0 : i32
    return %arg0, %c0_i32 : i32, i32
  }
  func.func @transform_3(%arg0: i32) -> (i32, i32) {
    %c0_i32 = arith.constant 0 : i32
    %c0_i32_0 = arith.constant 0 : i32
    %c0_i32_1 = arith.constant 0 : i32
    return %c0_i32, %c0_i32_0 : i32, i32
  }
  func.func @transform_4(%arg0: i32) -> (i32, i32) {
    %c0_i32 = arith.constant 0 : i32
    %c0_i32_0 = arith.constant 0 : i32
    %c0_i32_1 = arith.constant 0 : i32
    return %c0_i32, %c0_i32_0 : i32, i32
  }
  func.func @transform_5(%arg0: i32) -> (i32, i32) {
    %c0_i32 = arith.constant 0 : i32
    %c0_i32_0 = arith.constant 0 : i32
    return %arg0, %c0_i32 : i32, i32
  }
}

module attributes {stable_mosaic.version = 14 : i64} {
  func.func @_final_body(%arg0: i32, %arg1: memref<2x1024xf32, #tpu.memory_space<vmem>>, %arg2: memref<1024x1xf32, #tpu.memory_space<vmem>>, %arg3: memref<1024x1xf32, #tpu.memory_space<vmem>>, %arg4: memref<1x1xf32, #tpu.memory_space<vmem>>, %arg5: memref<1024x1xf32, #tpu.memory_space<vmem>>) attributes {dimension_semantics = [#tpu.dimension_semantics<arbitrary>], iteration_bounds = array<i64: 10>, scalar_prefetch = 0 : i64, scratch_operands = 0 : i64, tpu.core_type = #tpu.core_type<tc>, window_params = [{transform_indices = @transform_0, window_bounds = array<i64: 2, 1024>}, {transform_indices = @transform_1, window_bounds = array<i64: 1024, 1>}, {transform_indices = @transform_2, window_bounds = array<i64: 1024, 1>}, {pipeline_mode = #tpu.pipeline_mode<synchronous>, transform_indices = @transform_3, window_bounds = array<i64: 1, 1>}, {transform_indices = @transform_4, window_bounds = array<i64: 1024, 1>}]} {
    %get3A = arith.constant 0 : index
    %get3A_0 = arith.constant 0 : index
    %get3A_1 = vector.load %arg3[%get3A, %get3A_0] : memref<1024x1xf32, #tpu.memory_space<vmem>>, vector<1024x1xf32>
    %get3A_2 = arith.constant 0 : index
    %get3A_3 = arith.constant 0 : index
    %get3A_4 = vector.load %arg1[%get3A_2, %get3A_3] : memref<2x1024xf32, #tpu.memory_space<vmem>>, vector<1x1024xf32>
    %get3A_5 = vector.shape_cast %get3A_4 : vector<1x1024xf32> to vector<1024xf32>
    %get3A_6 = arith.constant 1 : index
    %get3A_7 = arith.constant 0 : index
    %get3A_8 = vector.load %arg1[%get3A_6, %get3A_7] : memref<2x1024xf32, #tpu.memory_space<vmem>>, vector<1x1024xf32>
    %get3A_9 = vector.shape_cast %get3A_8 : vector<1x1024xf32> to vector<1024xf32>
    %add3A = arith.addf %get3A_5, %get3A_9 : vector<1024xf32>
    %broadcast_in_dim3A = vector.shape_cast %add3A : vector<1024xf32> to vector<1024x1xf32>
    %mul3A = arith.mulf %get3A_1, %broadcast_in_dim3A : vector<1024x1xf32>
    %get3A_10 = arith.constant 0 : index
    %get3A_11 = arith.constant 0 : index
    %get3A_12 = vector.load %arg2[%get3A_10, %get3A_11] : memref<1024x1xf32, #tpu.memory_space<vmem>>, vector<1024x1xf32>
    %mul3A_13 = arith.mulf %get3A_1, %get3A_12 : vector<1024x1xf32>
    %add3A_14 = arith.addf %mul3A, %mul3A_13 : vector<1024x1xf32>
    %get3A_15 = arith.constant 0 : index
    %get3A_16 = arith.constant 0 : index
    %get3A_17 = vector.load %arg4[%get3A_15, %get3A_16] : memref<1x1xf32, #tpu.memory_space<vmem>>, vector<1x1xf32>
    %add3A_18 = vector.broadcast %get3A_17 : vector<1x1xf32> to vector<1024x1xf32>
    %add3A_19 = arith.addf %add3A_14, %add3A_18 : vector<1024x1xf32>
    %swap3A = arith.constant 0 : index
    %swap3A_20 = arith.constant 0 : index
    %swap3A_21 = vector.load %arg5[%swap3A, %swap3A_20] : memref<1024x1xf32, #tpu.memory_space<vmem>>, vector<1024x1xf32>
    tpu.vector_store %arg5[%swap3A, %swap3A_20], %add3A_19 {strides = array<i32>} : memref<1024x1xf32, #tpu.memory_space<vmem>>, vector<1024x1xf32>,
    return
  }
  func.func @transform_0(%arg0: i32) -> (i32, i32) {
    %c0_i32 = arith.constant 0 : i32
    %c0_i32_0 = arith.constant 0 : i32
    return %c0_i32, %arg0 : i32, i32
  }
  func.func @transform_1(%arg0: i32) -> (i32, i32) {
    %c0_i32 = arith.constant 0 : i32
    %c0_i32_0 = arith.constant 0 : i32
    return %arg0, %c0_i32 : i32, i32
  }
  func.func @transform_2(%arg0: i32) -> (i32, i32) {
    %c0_i32 = arith.constant 0 : i32
    %c0_i32_0 = arith.constant 0 : i32
    return %arg0, %c0_i32 : i32, i32
  }
  func.func @transform_3(%arg0: i32) -> (i32, i32) {
    %c0_i32 = arith.constant 0 : i32
    %c0_i32_0 = arith.constant 0 : i32
    %c0_i32_1 = arith.constant 0 : i32
    return %c0_i32, %c0_i32_0 : i32, i32
  }
  func.func @transform_4(%arg0: i32) -> (i32, i32) {
    %c0_i32 = arith.constant 0 : i32
    %c0_i32_0 = arith.constant 0 : i32
    return %arg0, %c0_i32 : i32, i32
  }
}

</mosaic_0001>

<sc_bundles>
// kernel: _run.11.cloned.1.call-start
scs
__scs_entry_jumppad:
0x0: {  	(pc) =	sbr.rel $0x88, $3  }
0x1: {  	(tag) =	ssettag $0x0;
	lr =	simm.s32 $0x1  }
0x2: {  	[smem:$0x3F9B] =	sst lr;
	_ =	strace $0xD0000000  }
0x3: {  	_ = 	snop  }
0x4: {  	_ = 	snop  }
0x5: {  	_ = 	snop  }
0x6: {  	_ = 	snop  }
0x7: {  	_ = 	snop  }
__scs_overlays_trampoline_lowered:
0x8: {  	[smem:$0x3FAA] =	sst s0  }
0x9: {  	[smem:$0x3FAB] =	sst s1  }
0xa: {  	[smem:$0x3FAC] =	sst s2  }
0xb: {  	[smem:$0x3FAD] =	sst s3  }
0xc: {  	[smem:$0x3FAE] =	sst s4  }
0xd: {  	[smem:$0x3FAF] =	sst s5  }
0xe: {  	[smem:$0x3FB0] =	sst s6  }
0xf: {  	[smem:$0x3FB1] =	sst s7  }
0x10: {  	[smem:$0x3FB2] =	sst s8  }
0x11: {  	[smem:$0x3FB3] =	sst s9;
	s0 =	simm.s32 @!p0 $0x0  }
0x12: {  	s1 =	sld [smem:$0x3F99];
	s0 =	simm.s32 @p0 $0x1  }
0x13: {  	[smem:$0x3FB4] =	sst s0;
	s0 =	simm.s32 @!p1 $0x0  }
0x14: {  	s2 =	sld [smem:$0x3F98];
	s0 =	simm.s32 @p1 $0x1  }
0x15: {  	[smem:$0x3FB5] =	sst s0;
	s0 =	simm.s32 @!p2 $0x0  }
0x16: {  	s3 =	sld [smem:$0x3FDB];
	s0 =	simm.s32 @p2 $0x1  }
0x17: {  	s4 =	simm.s32 $0x1BF5;
	[smem:$0x3FB7] =	sst s0  }
0x18: {  	s0 =	sld [smem:$0x3F9A];
	_ =	swait.ge [sflag:s4], $0x0  }
0x19: {  	s7 =	sld [smem:$0x3F9B]  }
0x1a: {  	s8 =	sadd.s32 $0xFFFFE003, lr  }
0x1b: {  	s9 =	sadd.s32 $0xFFFFFEF7, lr;
	s5 =	simm.s32 $0xFFFFFFFF;
	p2 =	slt.u32 s8, $0xFFFFF086  }
0x1c: {  	p1 =	slt.u32 s9, $0xF7A;
	s5 =	simm.s32 @!p2 $0x0  }
0x1d: {  	s5 =	simm.s32 @p1 $0x1;
	p0 =	seq.s32 s7, s2  }
0x1e: {  	s7 =	smul.u32 @!p0 $0xF7A, s2;
	p2 =	seq.s32 @!p0 s5, $0x0  }
0x1f: {  	s9 =	smul.u32 $0xF7A, s1;
	s8 =	simm.s32 @!p0 $0x1BF5;
	p2 =	por !p2, p0  }
0x20: {  	[sflag:s8] =	ssyncset.s32 @!p0 $0xFFFFF086;
	s6 =	sadd.s32 @!p0 s3, s7;
	s7 =	simm.s32 @!p0 $0x108  }
0x21: {  	s3 =	sadd.s32 s3, s9;
	s6 =	sadd.s32 @!p0 $0x88, s6;
	s7 =	simm.s32 @p2 $0x1082  }
0x22: {  	[simem:s7], [sflag:s8] =	dma.local @!p0 [hbm:s6], $0xF7A  }
0x23: {  	s9 =	sor.u32 $0xD0000000, s2;
	s6 =	simm.s32 $0x108;
	_ =	swait.ge @!p0 [sflag:s8], $0x0  }
0x24: {  	s3 =	sadd.s32 $0x88, s3;
	s6 =	simm.s32 @!p1 $0x1082;
	[sflag:s4] =	ssyncset.s32 $0xFFFFF086  }
0x25: {  	[simem:s6], [sflag:s4] =	dma.local [hbm:s3], $0xF7A  }
0x26: {  	[smem:$0x3F9B] =	sst s1;
	(tag) =	ssettag s2;
	_ =	strace s9  }
0x27: {  	s1 =	sld [smem:$0x3FAB]  }
0x28: {  	s2 =	sld [smem:$0x3FAC]  }
0x29: {  	s4 =	sld [smem:$0x3FAE]  }
0x2a: {  	p0 =	seq.s32 s5, $0x0;
	s5 =	sld [smem:$0x3FAF]  }
0x2b: {  	s6 =	sld [smem:$0x3FB0]  }
0x2c: {  	s7 =	sld [smem:$0x3FB1]  }
0x2d: {  	s3 =	simm.s32 $0x108;
	s8 =	sld [smem:$0x3FB2]  }
0x2e: {  	s3 =	simm.s32 @!p0 $0x1082;
	s9 =	sld [smem:$0x3FB3]  }
0x2f: {  	lr =	sadd.s32 s0, s3;
	s0 =	sld [smem:$0x3FAA]  }
0x30: {  	s3 =	sld [smem:$0x3FAD]  }
0x31: {  	[smem:$0x3FB6] =	sst s10  }
0x32: {  	s10 =	sld [smem:$0x3FB4];
	_ =	sdelay $0x3  }
0x33: {  	p0 =	seq.s32 s10, $0x1;
	s10 =	sld [smem:$0x3FB6];
	_ =	sdelay $0x3  }
0x34: {  	[smem:$0x3FB6] =	sst s10  }
0x35: {  	s10 =	sld [smem:$0x3FB5];
	_ =	sdelay $0x3  }
0x36: {  	p1 =	seq.s32 s10, $0x1;
	s10 =	sld [smem:$0x3FB6];
	_ =	sdelay $0x3  }
0x37: {  	[smem:$0x3FB6] =	sst s10  }
0x38: {  	s10 =	sld [smem:$0x3FB7]  }
0x39: {  	_ = 	snop;
	(pc) =	sbr.ind lr, $3  }
0x3a: {  	_ = 	snop  }
0x3b: {  	_ = 	snop  }
0x3c: {  	p2 =	seq.s32 s10, $0x1;
	s10 =	sld [smem:$0x3FB6]  }
0x3d: {  	_ =	shalt  }
0x3e: {  	_ =	shalt  }
0x3f: {  	_ =	shalt  }
0x40: {  	_ =	shalt  }
0x41: {  	_ =	shalt  }
0x42: {  	_ =	shalt  }
0x43: {  	_ =	shalt  }
0x44: {  	_ =	shalt  }
0x45: {  	_ =	shalt  }
0x46: {  	_ =	shalt  }
0x47: {  	_ =	shalt  }
0x48: {  	_ =	shalt  }
0x49: {  	_ =	shalt  }
0x4a: {  	_ =	shalt  }
0x4b: {  	_ =	shalt  }
0x4c: {  	_ =	shalt  }
0x4d: {  	_ =	shalt  }
0x4e: {  	_ =	shalt  }
0x4f: {  	_ =	shalt  }
0x50: {  	_ =	shalt  }
0x51: {  	_ =	shalt  }
0x52: {  	_ =	shalt  }
0x53: {  	_ =	shalt  }
0x54: {  	_ =	shalt  }
0x55: {  	_ =	shalt  }
0x56: {  	_ =	shalt  }
0x57: {  	_ =	shalt  }
0x58: {  	_ =	shalt  }
0x59: {  	_ =	shalt  }
0x5a: {  	_ =	shalt  }
0x5b: {  	_ =	shalt  }
0x5c: {  	_ =	shalt  }
0x5d: {  	_ =	shalt  }
0x5e: {  	_ =	shalt  }
0x5f: {  	_ =	shalt  }
0x60: {  	_ =	shalt  }
0x61: {  	_ =	shalt  }
0x62: {  	_ =	shalt  }
0x63: {  	_ =	shalt  }
0x64: {  	_ =	shalt  }
0x65: {  	_ =	shalt  }
0x66: {  	_ =	shalt  }
0x67: {  	_ =	shalt  }
0x68: {  	_ =	shalt  }
0x69: {  	_ =	shalt  }
0x6a: {  	_ =	shalt  }
0x6b: {  	_ =	shalt  }
0x6c: {  	_ =	shalt  }
0x6d: {  	_ =	shalt  }
0x6e: {  	_ =	shalt  }
0x6f: {  	_ =	shalt  }
0x70: {  	_ =	shalt  }
0x71: {  	_ =	shalt  }
0x72: {  	_ =	shalt  }
0x73: {  	_ =	shalt  }
0x74: {  	_ =	shalt  }
0x75: {  	_ =	shalt  }
0x76: {  	_ =	shalt  }
0x77: {  	_ =	shalt  }
0x78: {  	_ =	shalt  }
0x79: {  	_ =	shalt  }
0x7a: {  	_ =	shalt  }
0x7b: {  	_ =	shalt  }
0x7c: {  	_ =	shalt  }
0x7d: {  	_ =	shalt  }
0x7e: {  	_ =	shalt  }
0x7f: {  	_ =	shalt  }
0x80: {  	_ =	shalt  }
0x81: {  	_ =	shalt  }
0x82: {  	_ =	shalt  }
0x83: {  	_ =	shalt  }
0x84: {  	_ =	shalt  }
0x85: {  	_ =	shalt  }
0x86: {  	_ =	shalt  }
0x87: {  	_ =	shalt  }
.Lfunc_end0:
.L_simem_size_0:
called_computation.1_lowered:
.L_overlay_start_0:
0x88: {  	s2 =	sld [smem:$0x3FD9]  }
0x89: {  	s3 =	sld [smem:$0x3FFE];
	_ =	sdelay $0x1  }
0x8a: {  	s1 =	srdreg.scid  }
0x8b: {  	s0 =	sand.u32 $0x1, s1  }
0x8c: {  	s16 =	sshll.u32 s0, $0xA;
	s2 =	sadd.s32 s3, s2  }
0x8d: {  	s2 =	sadd.s32 s2, s16  }
0x8e: {  	[smem:$0x3FC2] =	sst s2  }
0x8f: {  	_ = 	snop  }
0x90: {  	(tm) =	ssettm $0x1  }
0x91: {  	s17 =	sld [smem:$0x3FFB];
	_ =	sdelay $0x3  }
0x92: {  	_ =	strace s17  }
0x93: {  	s2 =	sld [smem:$0x3FFC];
	_ =	sdelay $0x3  }
0x94: {  	_ =	strace s2  }
0x95: {  	s2 =	sld [smem:$0x3FFD];
	_ =	sdelay $0x3  }
0x96: {  	_ =	strace s2  }
0x97: {  	_ =	strace $0x8FFFFFFF  }
0x98: {  	s18 =	sld [smem:$0x3FDB];
	_ =	sdelay $0x1  }
0x99: {  	s19 =	simm.s32 $_scs_section_size  }
0x9a: {  	s4 =	simm.s32 $_size__tile_overlayer_lowered;
	s5 =	simm.s32 $_tile_overlayer_lowered  }
0x9b: {  	s22 =	simm.s32 $0x1BFF;
	s21 =	sshll.u32 s5, $0x1;
	s2 =	sadd.s32 s19, s18  }
0x9c: {  	s6 =	simm.s32 $0x0;
	s20 =	sshll.u32 s4, $0x1;
	s4 =	sadd.s32 s21, s2  }
0x9d: {  	[timem:s6], [sflag:s22] =	dma.local [hbm:s4], s20  }
0x9e: {  	_ =	swait.ge [sflag:s22], s20  }
0x9f: {  	s3 =	ssub.s32 $0x0, s20;
	[sflag:s22] =	ssyncset.done $0x0  }
0xa0: {  	[sflag:s22] =	ssyncadd.s32 s3;
	_ =	sdelay $0x1  }
0xa1: {  	s23 =	simm.s32 $0x1B8B  }
0xa2: {  	_ =	swait.ge [sflag:s23], $0x1  }
0xa3: {  	[sflag:s23] =	ssyncset.done $0x0  }
0xa4: {  	s25 =	simm.s32 $0x1B8E;
	s24 =	sld [smem:$0x3FFE];
	[sflag:s23] =	ssyncadd.s32 $0xFFFFFFFF  }
0xa5: {  	s26 =	simm.s32 $execute0_lowered;
	[smem:$0x3FD2] =	sst s25  }
0xa6: {  	s4 =	sshll.u32 s26, $0x1;
	_ =	strace $0x80000049;
	[dreg:$0x1] =	wrdreg $0xFFFFFFFF  }
0xa7: {  	s28 =	simm.s32 $_size_execute0_lowered;
	s2 =	sadd.s32 s2, s4;
	[dreg:$0x0] =	wrdreg $0x0  }
0xa8: {  	s4 =	sshll.u32 s28, $0x1;
	[dreg:$0x2] =	wrdreg s2  }
0xa9: {  	[dreg:$0x3] =	wrdreg s4  }
0xaa: {  	[dreg:$0x4] =	wrdreg $0xC0  }
0xab: {  	_ =	task [dreg:s6], $0x5FFFF  }
0xac: {  	[dreg:$0x1] =	wrdreg $0xFFFFFFFF  }
0xad: {  	[dreg:$0x0] =	wrdreg $0x60  }
0xae: {  	[dreg:$0x2] =	wrdreg s24  }
0xaf: {  	[dreg:$0x3] =	wrdreg $0xAA000  }
0xb0: {  	[dreg:$0x4] =	wrdreg $0x9  }
0xb1: {  	_ =	task.clear_ibuf [dreg:s6], $0x5FFFF;
	_ =	strace $0x90000049  }
0xb2: {  	s29 =	simm.s32 $0x9;
	_ =	strace $0x8000004B  }
0xb3: {  	_ =	swait.ge [sflag:s29], $0x1  }
0xb4: {  	[sflag:s29] =	ssyncadd.s32 $0xFFFFFFFF  }
0xb5: {  	_ =	strace $0x9000004B  }
0xb6: {  	_ =	sfence  }
0xb7: {  	s30 =	sld [smem:$0x0];
	_ =	sdelay $0x2  }
0xb8: {  	s31 =	sshll.u32 s1, $0xD;
	s1 =	sshrl.u32 s1, $0x2  }
0xb9: {  	s3 =	sand.u32 $0x4000, s31;
	s1 =	sadd.s32 s1, s30  }
0xba: {  	s0 =	sor.u32 s3, s0;
	s1 =	sshll.u32 s1, $0x11  }
0xbb: {  	s0 =	sor.u32 s1, s0  }
0xbc: {  	s0 =	sadd.s32 $0x8F2B, s0  }
0xbd: {  	[sflag:s0] =	ssyncadd.remote.s32 $0x1  }
0xbe: {  	_ =	sfence.sel $0xFFFF  }
0xbf: {  	[dreg:$0x0] =	wrdreg $0xFFFFFFFF;
	(pc) =	sbr.abs _section_cstart, $3  }
0xc0: {  	[dreg:$0x1] =	wrdreg $0xFFFFFFFF  }
0xc1: {  	_ =	task.clear_ibuf [dreg:s6], $0x2FFFF;
	_ =	strace $0x9FFFFFFF  }
0xc2: {  	(tm) =	ssettm $0x7FFFFFFF  }
0xc3: {  	_ =	shalt  }
tec
execute0_lowered:
.L_overlay_start_1:
0x0: {  	(tag) =	ssettag $0x1  }
0x1: {  	s0 =	srdreg.scid;
	s5 =	rddreg [dreg:$0x0]  }
0x2: {  	s11 =	stileid.u32;
	s2 =	rddreg [dreg:$0x1]  }
0x3: {  	s3 =	simm.s32 $0x0;
	s28 =	simm.s32 $0x2;
	s29 =	simm.s32 $0x1  }
0x4: {  	s30 =	simm.s32 $0x2800;
	s31 =	simm.s32 $0x40;
	s6 =	smul.u32 $0x14000, s11  }
0x5: {  	s0 =	sand.u32 $0x1, s0;
	[smem:$0x7FF] =	sst s3;
	s10 =	smul.u32 $0x50000, s11  }
0x6: {  	s8 =	sadd.s32 $0x1E00, s5;
	s14 =	smul.u32 $0x2800, s11;
	s1 =	sshll.u32 s0, $0x4  }
0x7: {  	s4 =	smul.u32 $0x140000, s0;
	_ =	strace $0x8000004A;
	s9 =	ssub.s32 $0x2, s0  }
0x8: {  	s0 =	smul.u32 $0x28000, s0;
	s1 =	sor.u32 s11, s1;
	s26 =	sshrl.u32 s9, $0x1  }
0x9: {  	s10 =	sshrl.u32 s10, $0x2;
	s11 =	simm.s32 $0x4;
	s1 =	smul.u32 $0x2800, s1  }
0xa: {  	s4 =	sadd.s32 s6, s4;
	s9 =	ssub.s32 s9, s26;
	s0 =	sadd.s32 s14, s0  }
0xb: {  	s6 =	sshrl.u32 s4, $0x3;
	s15 =	smax.u32 s9, $0x1;
	s1 =	sshrl.u32 s1, $0x3  }
0xc: {  	[dreg:$0x9] =	wrdreg s15;
	s7 =	sadd.s32 s1, s5;
	s12 =	sadd.s32 s8, s1  }
0xd: {  	s4 =	sadd.s32 $0x15E00, s5;
	s7 =	sadd.s32 $0xBE00, s7;
	[dreg:$0x4] =	wrdreg s12  }
0xe: {  	s20 =	sor.u32 $0x100, s0;
	s1 =	sadd.s32 $0x8, s12;
	[dreg:$0x3] =	wrdreg s7  }
0xf: {  	s5 =	sadd.s32 s6, s5;
	s13 =	sadd.s32 $0x10, s12;
	[dreg:$0x5] =	wrdreg s1  }
0x10: {  	s6 =	sadd.s32 s10, s2;
	s5 =	sadd.s32 $0x3DE00, s5;
	[dreg:$0x6] =	wrdreg s13  }
0x11: {  	s25 =	sor.u32 $0x140, s0;
	s16 =	sadd.s32 $0x2000, s6;
	[dreg:$0x8] =	wrdreg s5  }
0x12: {  	s26 =	sor.u32 $0x180, s0;
	s17 =	sadd.s32 $0x4000, s6;
	[dreg:$0xa] =	wrdreg s16  }
0x13: {  	s0 =	sor.u32 $0x1C0, s0;
	s18 =	sadd.s32 $0x6000, s6;
	[dreg:$0xb] =	wrdreg s17  }
0x14: {  	s9 =	simm.s32 $0x5;
	s19 =	sadd.s32 $0x8000, s6;
	[dreg:$0xc] =	wrdreg s18  }
0x15: {  	s0 =	sshrl.u32 s0, $0x3;
	s21 =	sadd.s32 $0xA000, s6;
	[dreg:$0xd] =	wrdreg s19  }
0x16: {  	s14 =	sadd.s32 s0, s8;
	s22 =	sadd.s32 $0xC000, s6;
	[dreg:$0xe] =	wrdreg s21  }
0x17: {  	s0 =	simm.s32 $0x6A00;
	s23 =	sadd.s32 $0xE000, s6;
	[dreg:$0xf] =	wrdreg s22  }
0x18: {  	s10 =	simm.s32 $0x3;
	s24 =	sadd.s32 $0x10000, s6;
	[dreg:$0x10] =	wrdreg s23  }
0x19: {  	s7 =	sadd.s32 $0x18, s12;
	s1 =	sshrl.u32 s20, $0x3;
	[dreg:$0x11] =	wrdreg s24  }
.Ltmp0:
0x1a: {  	s5 =	sshrl.u32 s26, $0x3;
	s26 =	simm.s32 $0x2A00;
	(pc) =	sbr.rel .LBB2_1-.Ltmp0, $4  }
0x1b: {  	s12 =	simm.s32 $0x0;
	[dreg:$0x7] =	wrdreg s7;
	s1 =	sadd.s32 s1, s8  }
0x1c: {  	s15 =	sadd.s32 s5, s8;
	[dreg:$0x12] =	wrdreg s1;
	s1 =	sshrl.u32 s25, $0x3  }
0x1d: {  	s5 =	simm.s32 $0x2980;
	s25 =	sadd.s32 $0x12000, s6;
	s1 =	sadd.s32 s1, s8  }
0x1e: {  	v0 =	vimm.f32 $0.0e+00;
	s8 =	simm.s32 $0x8A00;
	[dreg:$0x13] =	wrdreg s1;
	s1 =	simm.s32 $0x2900  }
.LBB2_6:
0x1f: {  	_ =	swait.ge [sflag:s11], $0x40  }
0x20: {  	[sflag:s11] =	ssyncset.done $0x0  }
0x21: {  	[sflag:s11] =	ssyncadd.s32 $0xFFFFFFC0  }
0x22: {  	_ =	swait.ge [sflag:s11], $0x2000  }
0x23: {  	[sflag:s11] =	ssyncset.done $0x0  }
0x24: {  	[sflag:s11] =	ssyncadd.s32 $0xFFFFE000  }
0x25: {  	[spmem:s2] =	stream.indirect.scatter.add.f32 [tilespmem:s8], [sflag:$0x5], $0x80, s5, s31, $0xb8;
	[tilespmem:$0x1EA00] =	vst v63  }
0x26: {  	_ =	swait.ge [sflag:s9], $0x2000  }
0x27: {  	[sflag:s9] =	ssyncset.done $0x0  }
0x28: {  	s7 =	stileid.u32;
	[sflag:s9] =	ssyncadd.s32 $0xFFFFE000  }
0x29: {  	s7 =	sshll.u32 s7, $0x6;
	[bflag:$0x0] =	sbarrier.arrive $0xFFFF  }
0x2a: {  	s13 =	sshrl.u32 s6, $0x3;
	s7 =	sor.u32 $0x1C05, s7;
	s16 =	rddreg [dreg:$0x8]  }
0x2b: {  	[hbm:s16], [sflag:s7] =	dma.local [spmem:s13], $0x2800  }
0x2c: {  	_ =	swait.ge [sflag:s9], $0x2800  }
0x2d: {  	s12 =	sadd.s32 $0x1, s12;
	s24 =	rddreg [dreg:$0x9]  }
0x2e: {  	p0 =	sne.s32 s12, s24  }
.Ltmp1:
0x2f: {  	_ = 	snop;
	(pc) =	sbr.rel @!p0 .LBB2_7-.Ltmp1, $3  }
0x30: {  	_ =	sdelay $0x1  }
0x31: {  	[sflag:s9] =	ssyncset.done $0x0  }
0x32: {  	[sflag:s9] =	ssyncadd.s32 $0xFFFFD800  }
.LBB2_1:
0x33: {  	s7 =	rddreg [dreg:$0x3];
	s13 =	simm.s32 $0x0;
	s21 =	simm.s32 $0x200  }
0x34: {  	[tilespmem:s3], [sflag:$0x1] =	stream.linear.gather [hbm4b:s7+s3], $0x2800, $0x38;
	[tilespmem:$0x1EA00] =	vst v63  }
.LBB2_2:
0x35: {  	p0 =	sne.s32 s21, $0x7E00;
	[tilespmem:s13+$0x2A70] =	vst v0  }
0x36: {  	[tilespmem:s13+$0x2A00] =	vst v0  }
0x37: {  	[tilespmem:s13+$0x2A10] =	vst v0  }
.Ltmp2:
0x38: {  	[tilespmem:s13+$0x2A20] =	vst v0;
	(pc) =	sbr.rel @p0 .LBB2_2-.Ltmp2, $4  }
0x39: {  	[tilespmem:s13+$0x2A30] =	vst v0  }
0x3a: {  	[tilespmem:s13+$0x2A40] =	vst v0  }
0x3b: {  	[tilespmem:s13+$0x2A50] =	vst v0  }
0x3c: {  	[tilespmem:s13+$0x2A60] =	vst v0;
	s13 =	sshra.s32 s21, $0x2;
	s21 =	sadd.s32 $0x200, s21  }
0x3d: {  	[tilespmem:s13+$0x2A70] =	vst v0  }
0x3e: {  	[tilespmem:s13+$0x2A00] =	vst v0  }
0x3f: {  	[tilespmem:s13+$0x2A10] =	vst v0  }
0x40: {  	[tilespmem:s13+$0x2A20] =	vst v0  }
0x41: {  	[tilespmem:s13+$0x2A30] =	vst v0  }
0x42: {  	[tilespmem:s13+$0x2A40] =	vst v0  }
0x43: {  	[tilespmem:s13+$0x2A50] =	vst v0  }
0x44: {  	[tilespmem:s13+$0x2A60] =	vst v0  }
0x45: {  	[spmem:s6] =	stream.linear.scatter [tilespmem:s26], [sflag:$0x2], $0x2000, $0x38;
	[tilespmem:$0x1EA00] =	vst v63  }
0x46: {  	s7 =	rddreg [dreg:$0xa]  }
0x47: {  	[spmem:s7] =	stream.linear.scatter [tilespmem:s26], [sflag:$0x2], $0x2000, $0x38;
	[tilespmem:$0x1EA00] =	vst v63  }
0x48: {  	s21 =	rddreg [dreg:$0xb]  }
0x49: {  	[spmem:s21] =	stream.linear.scatter [tilespmem:s26], [sflag:$0x2], $0x2000, $0x38;
	[tilespmem:$0x1EA00] =	vst v63  }
0x4a: {  	s22 =	rddreg [dreg:$0xc]  }
0x4b: {  	[spmem:s22] =	stream.linear.scatter [tilespmem:s26], [sflag:$0x2], $0x2000, $0x38;
	[tilespmem:$0x1EA00] =	vst v63  }
0x4c: {  	s23 =	rddreg [dreg:$0xd]  }
0x4d: {  	[spmem:s23] =	stream.linear.scatter [tilespmem:s26], [sflag:$0x2], $0x2000, $0x38;
	[tilespmem:$0x1EA00] =	vst v63  }
0x4e: {  	s24 =	rddreg [dreg:$0xe]  }
0x4f: {  	[spmem:s24] =	stream.linear.scatter [tilespmem:s26], [sflag:$0x2], $0x2000, $0x38;
	[tilespmem:$0x1EA00] =	vst v63  }
0x50: {  	s13 =	rddreg [dreg:$0xf]  }
0x51: {  	[spmem:s13] =	stream.linear.scatter [tilespmem:s26], [sflag:$0x2], $0x2000, $0x38;
	[tilespmem:$0x1EA00] =	vst v63  }
0x52: {  	s16 =	rddreg [dreg:$0x10]  }
0x53: {  	[spmem:s16] =	stream.linear.scatter [tilespmem:s26], [sflag:$0x2], $0x2000, $0x38;
	[tilespmem:$0x1EA00] =	vst v63  }
0x54: {  	s17 =	rddreg [dreg:$0x11]  }
0x55: {  	[spmem:s17] =	stream.linear.scatter [tilespmem:s26], [sflag:$0x2], $0x2000, $0x38;
	[tilespmem:$0x1EA00] =	vst v63  }
0x56: {  	_ = 	snop  }
0x57: {  	[spmem:s25] =	stream.linear.scatter [tilespmem:s26], [sflag:$0x2], $0x2000, $0x38;
	[tilespmem:$0x1EA00] =	vst v63  }
0x58: {  	_ =	swait.ge [sflag:s28], $0x2000  }
0x59: {  	[sflag:s28] =	ssyncset.done $0x0  }
0x5a: {  	[sflag:s28] =	ssyncadd.s32 $0xFFFFE000  }
0x5b: {  	_ =	swait.ge [sflag:s28], $0x2000  }
0x5c: {  	[sflag:s28] =	ssyncset.done $0x0  }
0x5d: {  	[sflag:s28] =	ssyncadd.s32 $0xFFFFE000  }
0x5e: {  	_ =	swait.ge [sflag:s28], $0x2000  }
0x5f: {  	[sflag:s28] =	ssyncset.done $0x0  }
0x60: {  	[sflag:s28] =	ssyncadd.s32 $0xFFFFE000  }
0x61: {  	_ =	swait.ge [sflag:s28], $0x2000  }
0x62: {  	[sflag:s28] =	ssyncset.done $0x0  }
0x63: {  	[sflag:s28] =	ssyncadd.s32 $0xFFFFE000  }
0x64: {  	_ =	swait.ge [sflag:s28], $0x2000  }
0x65: {  	[sflag:s28] =	ssyncset.done $0x0  }
0x66: {  	[sflag:s28] =	ssyncadd.s32 $0xFFFFE000  }
0x67: {  	_ =	swait.ge [sflag:s28], $0x2000  }
0x68: {  	[sflag:s28] =	ssyncset.done $0x0  }
0x69: {  	[sflag:s28] =	ssyncadd.s32 $0xFFFFE000  }
0x6a: {  	_ =	swait.ge [sflag:s28], $0x2000  }
0x6b: {  	[sflag:s28] =	ssyncset.done $0x0  }
0x6c: {  	[sflag:s28] =	ssyncadd.s32 $0xFFFFE000  }
0x6d: {  	_ =	swait.ge [sflag:s28], $0x2000  }
0x6e: {  	[sflag:s28] =	ssyncset.done $0x0  }
0x6f: {  	[sflag:s28] =	ssyncadd.s32 $0xFFFFE000  }
0x70: {  	_ =	swait.ge [sflag:s28], $0x2000  }
0x71: {  	[sflag:s28] =	ssyncset.done $0x0  }
0x72: {  	[sflag:s28] =	ssyncadd.s32 $0xFFFFE000  }
0x73: {  	_ =	swait.ge [sflag:s28], $0x2000  }
0x74: {  	[sflag:s28] =	ssyncset.done $0x0  }
0x75: {  	[sflag:s28] =	ssyncadd.s32 $0xFFFFE000  }
0x76: {  	_ =	swait.ge [sflag:s29], $0x2800  }
0x77: {  	[sflag:s29] =	ssyncset.done $0x0  }
0x78: {  	s13 =	simm.s32 $0x0;
	s18 =	rddreg [dreg:$0x4];
	[sflag:s29] =	ssyncadd.s32 $0xFFFFD800  }
0x79: {  	[tilespmem:s30], [sflag:$0x1] =	stream.linear.gather [hbm4b:s18+s13], $0x40, $0x38;
	[tilespmem:$0x1EA00] =	vst v63  }
0x7a: {  	_ = 	snop  }
0x7b: {  	[tilespmem:s26], [sflag:$0x1] =	stream.indirect.gather [hbm4b:s4+s31], $0x80, s13, s31, $0xb8;
	[tilespmem:$0x1EA00] =	vst v63  }
0x7c: {  	s16 =	simm.s32 $0x2880;
	s19 =	rddreg [dreg:$0x5]  }
0x7d: {  	[tilespmem:s16], [sflag:$0x2] =	stream.linear.gather [hbm4b:s19+s13], $0x40, $0x38;
	[tilespmem:$0x1EA00] =	vst v63  }
0x7e: {  	s20 =	simm.s32 $0x4A00  }
0x7f: {  	[tilespmem:s20], [sflag:$0x2] =	stream.indirect.gather [hbm4b:s4+s31], $0x80, s31, s31, $0xb8;
	[tilespmem:$0x1EA00] =	vst v63  }
0x80: {  	s21 =	rddreg [dreg:$0x6]  }
0x81: {  	[tilespmem:s1], [sflag:$0x3] =	stream.linear.gather [hbm4b:s21+s13], $0x40, $0x38;
	[tilespmem:$0x1EA00] =	vst v63  }
0x82: {  	s22 =	simm.s32 $0x80  }
0x83: {  	[tilespmem:s0], [sflag:$0x3] =	stream.indirect.gather [hbm4b:s4+s31], $0x80, s22, s31, $0xb8;
	[tilespmem:$0x1EA00] =	vst v63  }
0x84: {  	s23 =	rddreg [dreg:$0x7]  }
0x85: {  	[tilespmem:s5], [sflag:$0x4] =	stream.linear.gather [hbm4b:s23+s13], $0x40, $0x38;
	[tilespmem:$0x1EA00] =	vst v63  }
0x86: {  	s24 =	simm.s32 $0xC0  }
0x87: {  	[tilespmem:s8], [sflag:$0x4] =	stream.indirect.gather [hbm4b:s4+s31], $0x80, s24, s31, $0xb8;
	[tilespmem:$0x1EA00] =	vst v63  }
0x88: {  	[bflag:$0x0] =	sbarrier.arrive $0xFFFF  }
0x89: {  	s22 =	rddreg [dreg:$0x13]  }
0x8a: {  	s23 =	smov.u32 s15;
	s24 =	smov.u32 s14;
	s21 =	rddreg [dreg:$0x12]  }
.LBB2_4:
0x8b: {  	_ =	swait.ge [sflag:s29], $0x40  }
0x8c: {  	[sflag:s29] =	ssyncset.done $0x0  }
0x8d: {  	[sflag:s29] =	ssyncadd.s32 $0xFFFFFFC0  }
0x8e: {  	_ =	swait.ge [sflag:s29], $0x2000  }
0x8f: {  	[sflag:s29] =	ssyncset.done $0x0  }
0x90: {  	[sflag:s29] =	ssyncadd.s32 $0xFFFFE000  }
0x91: {  	[spmem:s2] =	stream.indirect.scatter.add.f32 [tilespmem:s26], [sflag:$0x5], $0x80, s30, s31, $0xb8;
	[tilespmem:$0x1EA00] =	vst v63  }
0x92: {  	_ =	swait.ge [sflag:s9], $0x2000  }
0x93: {  	p0 =	seq.s32 s13, $0x9C00;
	[sflag:s9] =	ssyncset.done $0x0  }
0x94: {  	s18 =	simm.s32 @p0 $0x2;
	[sflag:s9] =	ssyncadd.s32 $0xFFFFE000  }
0x95: {  	_ =	swait.ge @p0 [sflag:s18], $0x40  }
0x96: {  	[sflag:s18] =	ssyncset.done @p0 $0x0  }
0x97: {  	[sflag:s18] =	ssyncadd.s32 @p0 $0xFFFFFFC0  }
0x98: {  	_ =	swait.ge @p0 [sflag:s18], $0x2000  }
0x99: {  	s19 =	simm.s32 @p0 $0x2880;
	[sflag:s18] =	ssyncset.done @p0 $0x0  }
0x9a: {  	s20 =	simm.s32 @p0 $0x4A00;
	[sflag:s18] =	ssyncadd.s32 @p0 $0xFFFFE000;
	s18 =	simm.s32 @p0 $0x40  }
0x9b: {  	[spmem:s2] =	stream.indirect.scatter.add.f32 @p0 [tilespmem:s20], [sflag:$0x5], $0x80, s19, s18, $0xb8;
	[tilespmem:$0x1EA00] =	vst v63  }
0x9c: {  	s18 =	simm.s32 @p0 $0x5  }
0x9d: {  	_ =	swait.ge @p0 [sflag:s18], $0x2000  }
0x9e: {  	[sflag:s18] =	ssyncset.done @p0 $0x0  }
0x9f: {  	s19 =	simm.s32 @!p0 $0x2800;
	[sflag:s18] =	ssyncadd.s32 @p0 $0xFFFFE000;
	s18 =	simm.s32 @!p0 $0x0  }
0xa0: {  	[tilespmem:s19], [sflag:$0x1] =	stream.linear.gather @!p0 [hbm4b:s21+s18], $0x40, $0x38;
	[tilespmem:$0x1EA00] =	vst v63  }
0xa1: {  	s19 =	sshra.s32 @!p0 s13, $0x2  }
0xa2: {  	s17 =	simm.s32 @!p0 $0x40;
	s7 =	simm.s32 @!p0 $0x2A00;
	s20 =	sadd.s32 @!p0 $0x100, s19  }
0xa3: {  	[tilespmem:s7], [sflag:$0x1] =	stream.indirect.gather @!p0 [hbm4b:s4+s17], $0x80, s20, s17, $0xb8;
	[tilespmem:$0x1EA00] =	vst v63  }
0xa4: {  	s7 =	simm.s32 @!p0 $0x2  }
0xa5: {  	_ =	swait.ge @!p0 [sflag:s7], $0x40  }
0xa6: {  	[sflag:s7] =	ssyncset.done @!p0 $0x0  }
0xa7: {  	[sflag:s7] =	ssyncadd.s32 @!p0 $0xFFFFFFC0  }
0xa8: {  	_ =	swait.ge @!p0 [sflag:s7], $0x2000  }
0xa9: {  	s16 =	simm.s32 @!p0 $0x5;
	[sflag:s7] =	ssyncset.done @!p0 $0x0  }
0xaa: {  	s20 =	simm.s32 @!p0 $0x4A00;
	[sflag:s7] =	ssyncadd.s32 @!p0 $0xFFFFE000;
	s7 =	simm.s32 @!p0 $0x2880  }
0xab: {  	[spmem:s2] =	stream.indirect.scatter.add.f32 @!p0 [tilespmem:s20], [sflag:$0x5], $0x80, s7, s17, $0xb8;
	[tilespmem:$0x1EA00] =	vst v63  }
0xac: {  	_ =	swait.ge @!p0 [sflag:s16], $0x2000  }
0xad: {  	[sflag:s16] =	ssyncset.done @!p0 $0x0  }
0xae: {  	[sflag:s16] =	ssyncadd.s32 @!p0 $0xFFFFE000  }
0xaf: {  	[tilespmem:s7], [sflag:$0x2] =	stream.linear.gather @!p0 [hbm4b:s22+s18], $0x40, $0x38;
	[tilespmem:$0x1EA00] =	vst v63  }
0xb0: {  	s7 =	sadd.s32 @!p0 $0x140, s19  }
0xb1: {  	[tilespmem:s20], [sflag:$0x2] =	stream.indirect.gather @!p0 [hbm4b:s4+s17], $0x80, s7, s17, $0xb8;
	[tilespmem:$0x1EA00] =	vst v63  }
0xb2: {  	_ =	swait.ge [sflag:s10], $0x40  }
0xb3: {  	[sflag:s10] =	ssyncset.done $0x0  }
0xb4: {  	[sflag:s10] =	ssyncadd.s32 $0xFFFFFFC0  }
0xb5: {  	_ =	swait.ge [sflag:s10], $0x2000  }
0xb6: {  	[sflag:s10] =	ssyncset.done $0x0  }
.Ltmp3:
0xb7: {  	[sflag:s10] =	ssyncadd.s32 $0xFFFFE000;
	(pc) =	sbr.rel @p0 .LBB2_6-.Ltmp3, $4  }
0xb8: {  	[spmem:s2] =	stream.indirect.scatter.add.f32 [tilespmem:s0], [sflag:$0x5], $0x80, s1, s31, $0xb8;
	[tilespmem:$0x1EA00] =	vst v63  }
0xb9: {  	_ =	swait.ge [sflag:s9], $0x2000  }
0xba: {  	[sflag:s9] =	ssyncset.done $0x0  }
0xbb: {  	[sflag:s9] =	ssyncadd.s32 $0xFFFFE000  }
0xbc: {  	[tilespmem:s1], [sflag:$0x3] =	stream.linear.gather [hbm4b:s23+s3], $0x40, $0x38;
	[tilespmem:$0x1EA00] =	vst v63  }
0xbd: {  	s7 =	sshra.s32 s13, $0x2  }
0xbe: {  	s16 =	sadd.s32 $0x180, s7  }
0xbf: {  	[tilespmem:s0], [sflag:$0x3] =	stream.indirect.gather [hbm4b:s4+s31], $0x80, s16, s31, $0xb8;
	[tilespmem:$0x1EA00] =	vst v63  }
0xc0: {  	_ =	swait.ge [sflag:s11], $0x40  }
0xc1: {  	[sflag:s11] =	ssyncset.done $0x0  }
0xc2: {  	[sflag:s11] =	ssyncadd.s32 $0xFFFFFFC0  }
0xc3: {  	_ =	swait.ge [sflag:s11], $0x2000  }
0xc4: {  	[sflag:s11] =	ssyncset.done $0x0  }
0xc5: {  	[sflag:s11] =	ssyncadd.s32 $0xFFFFE000  }
0xc6: {  	[spmem:s2] =	stream.indirect.scatter.add.f32 [tilespmem:s8], [sflag:$0x5], $0x80, s5, s31, $0xb8;
	[tilespmem:$0x1EA00] =	vst v63  }
0xc7: {  	_ =	swait.ge [sflag:s9], $0x2000  }
.Ltmp4:
0xc8: {  	s13 =	sadd.s32 $0x400, s13;
	[sflag:s9] =	ssyncset.done $0x0;
	(pc) =	sbr.rel .LBB2_4-.Ltmp4, $4  }
0xc9: {  	s21 =	sadd.s32 $0x20, s21;
	s22 =	sadd.s32 $0x20, s22;
	[sflag:s9] =	ssyncadd.s32 $0xFFFFE000  }
0xca: {  	[tilespmem:s5], [sflag:$0x4] =	stream.linear.gather [hbm4b:s24+s3], $0x40, $0x38;
	[tilespmem:$0x1EA00] =	vst v63  }
0xcb: {  	s23 =	sadd.s32 $0x20, s23;
	s7 =	sadd.s32 $0x1C0, s7;
	s24 =	sadd.s32 $0x20, s24  }
0xcc: {  	[tilespmem:s8], [sflag:$0x4] =	stream.indirect.gather [hbm4b:s4+s31], $0x80, s7, s31, $0xb8;
	[tilespmem:$0x1EA00] =	vst v63  }
.LBB2_7:
0xcd: {  	_ =	sfence.sel $0x180000  }
0xce: {  	[bflag:$0x0] =	sbarrier.arrive $0xFFFF  }
0xcf: {  	_ =	strace $0x9000004A  }
0xd0: {  	s0 =	stileid.u32;
	[bflag:$0x2] =	sbarrier.arrive $0xFFFF  }
0xd1: {  	p0 =	sne.s32 s0, $0x0;
	s0 =	rddreg [dreg:$0x2]  }
0xd2: {  	s0 =	sadd.s32 @!p0 $0x100000, s0  }
0xd3: {  	[sflag:s0] =	ssyncadd.tile.s32 @!p0 $0x1;
	_ =	shalt  }
.Lfunc_end2:
_tile_overlayer_lowered:
.L_overlay_start_2:
0xd4: {  	(tag) =	ssettag $0x2  }
0xd5: {  	s0 =	rddreg [dreg:$0x0];
	s2 =	stileid.u32  }
0xd6: {  	s1 =	rddreg [dreg:$0x1];
	p0 =	sne.s32 s2, $0x0  }
0xd7: {  	s3 =	rddreg [dreg:$0x2];
	[bflag:$0x3] =	sbarrier.arrive $0xFFFF;
	s2 =	simm.s32 @!p0 $0x1C05  }
0xd8: {  	[timem:s3], [sflag:s2] =	dma.local @!p0 [hbm:s0], s1  }
0xd9: {  	s0 =	simm.s32 @!p0 $0x5  }
0xda: {  	_ =	swait.ge @!p0 [sflag:s0], s1  }
0xdb: {  	s1 =	ssub.s32 @!p0 $0x0, s1;
	[sflag:s0] =	ssyncset.done @!p0 $0x0  }
0xdc: {  	[sflag:s0] =	ssyncadd.s32 @!p0 s1  }
0xdd: {  	[bflag:$0x3] =	sbarrier.arrive $0xFFFF  }
0xde: {  	_ =	shalt  }

// kernel: _run.14.cloned.1.call-start
scs
__scs_entry_jumppad:
0x0: {  	(pc) =	sbr.rel $0x88, $3  }
0x1: {  	(tag) =	ssettag $0x0;
	lr =	simm.s32 $0x1  }
0x2: {  	[smem:$0x3F9B] =	sst lr;
	_ =	strace $0xD0000000  }
0x3: {  	_ = 	snop  }
0x4: {  	_ = 	snop  }
0x5: {  	_ = 	snop  }
0x6: {  	_ = 	snop  }
0x7: {  	_ = 	snop  }
__scs_overlays_trampoline_lowered:
0x8: {  	[smem:$0x3FAA] =	sst s0  }
0x9: {  	[smem:$0x3FAB] =	sst s1  }
0xa: {  	[smem:$0x3FAC] =	sst s2  }
0xb: {  	[smem:$0x3FAD] =	sst s3  }
0xc: {  	[smem:$0x3FAE] =	sst s4  }
0xd: {  	[smem:$0x3FAF] =	sst s5  }
0xe: {  	[smem:$0x3FB0] =	sst s6  }
0xf: {  	[smem:$0x3FB1] =	sst s7  }
0x10: {  	[smem:$0x3FB2] =	sst s8  }
0x11: {  	[smem:$0x3FB3] =	sst s9;
	s0 =	simm.s32 @!p0 $0x0  }
0x12: {  	s1 =	sld [smem:$0x3F99];
	s0 =	simm.s32 @p0 $0x1  }
0x13: {  	[smem:$0x3FB4] =	sst s0;
	s0 =	simm.s32 @!p1 $0x0  }
0x14: {  	s2 =	sld [smem:$0x3F98];
	s0 =	simm.s32 @p1 $0x1  }
0x15: {  	[smem:$0x3FB5] =	sst s0;
	s0 =	simm.s32 @!p2 $0x0  }
0x16: {  	s3 =	sld [smem:$0x3FDB];
	s0 =	simm.s32 @p2 $0x1  }
0x17: {  	s4 =	simm.s32 $0x1BF5;
	[smem:$0x3FB7] =	sst s0  }
0x18: {  	s0 =	sld [smem:$0x3F9A];
	_ =	swait.ge [sflag:s4], $0x0  }
0x19: {  	s7 =	sld [smem:$0x3F9B]  }
0x1a: {  	s8 =	sadd.s32 $0xFFFFE003, lr  }
0x1b: {  	s9 =	sadd.s32 $0xFFFFFEF7, lr;
	s5 =	simm.s32 $0xFFFFFFFF;
	p2 =	slt.u32 s8, $0xFFFFF086  }
0x1c: {  	p1 =	slt.u32 s9, $0xF7A;
	s5 =	simm.s32 @!p2 $0x0  }
0x1d: {  	s5 =	simm.s32 @p1 $0x1;
	p0 =	seq.s32 s7, s2  }
0x1e: {  	s7 =	smul.u32 @!p0 $0xF7A, s2;
	p2 =	seq.s32 @!p0 s5, $0x0  }
0x1f: {  	s9 =	smul.u32 $0xF7A, s1;
	s8 =	simm.s32 @!p0 $0x1BF5;
	p2 =	por !p2, p0  }
0x20: {  	[sflag:s8] =	ssyncset.s32 @!p0 $0xFFFFF086;
	s6 =	sadd.s32 @!p0 s3, s7;
	s7 =	simm.s32 @!p0 $0x108  }
0x21: {  	s3 =	sadd.s32 s3, s9;
	s6 =	sadd.s32 @!p0 $0x88, s6;
	s7 =	simm.s32 @p2 $0x1082  }
0x22: {  	[simem:s7], [sflag:s8] =	dma.local @!p0 [hbm:s6], $0xF7A  }
0x23: {  	s9 =	sor.u32 $0xD0000000, s2;
	s6 =	simm.s32 $0x108;
	_ =	swait.ge @!p0 [sflag:s8], $0x0  }
0x24: {  	s3 =	sadd.s32 $0x88, s3;
	s6 =	simm.s32 @!p1 $0x1082;
	[sflag:s4] =	ssyncset.s32 $0xFFFFF086  }
0x25: {  	[simem:s6], [sflag:s4] =	dma.local [hbm:s3], $0xF7A  }
0x26: {  	[smem:$0x3F9B] =	sst s1;
	(tag) =	ssettag s2;
	_ =	strace s9  }
0x27: {  	s1 =	sld [smem:$0x3FAB]  }
0x28: {  	s2 =	sld [smem:$0x3FAC]  }
0x29: {  	s4 =	sld [smem:$0x3FAE]  }
0x2a: {  	p0 =	seq.s32 s5, $0x0;
	s5 =	sld [smem:$0x3FAF]  }
0x2b: {  	s6 =	sld [smem:$0x3FB0]  }
0x2c: {  	s7 =	sld [smem:$0x3FB1]  }
0x2d: {  	s3 =	simm.s32 $0x108;
	s8 =	sld [smem:$0x3FB2]  }
0x2e: {  	s3 =	simm.s32 @!p0 $0x1082;
	s9 =	sld [smem:$0x3FB3]  }
0x2f: {  	lr =	sadd.s32 s0, s3;
	s0 =	sld [smem:$0x3FAA]  }
0x30: {  	s3 =	sld [smem:$0x3FAD]  }
0x31: {  	[smem:$0x3FB6] =	sst s10  }
0x32: {  	s10 =	sld [smem:$0x3FB4];
	_ =	sdelay $0x3  }
0x33: {  	p0 =	seq.s32 s10, $0x1;
	s10 =	sld [smem:$0x3FB6];
	_ =	sdelay $0x3  }
0x34: {  	[smem:$0x3FB6] =	sst s10  }
0x35: {  	s10 =	sld [smem:$0x3FB5];
	_ =	sdelay $0x3  }
0x36: {  	p1 =	seq.s32 s10, $0x1;
	s10 =	sld [smem:$0x3FB6];
	_ =	sdelay $0x3  }
0x37: {  	[smem:$0x3FB6] =	sst s10  }
0x38: {  	s10 =	sld [smem:$0x3FB7]  }
0x39: {  	_ = 	snop;
	(pc) =	sbr.ind lr, $3  }
0x3a: {  	_ = 	snop  }
0x3b: {  	_ = 	snop  }
0x3c: {  	p2 =	seq.s32 s10, $0x1;
	s10 =	sld [smem:$0x3FB6]  }
0x3d: {  	_ =	shalt  }
0x3e: {  	_ =	shalt  }
0x3f: {  	_ =	shalt  }
0x40: {  	_ =	shalt  }
0x41: {  	_ =	shalt  }
0x42: {  	_ =	shalt  }
0x43: {  	_ =	shalt  }
0x44: {  	_ =	shalt  }
0x45: {  	_ =	shalt  }
0x46: {  	_ =	shalt  }
0x47: {  	_ =	shalt  }
0x48: {  	_ =	shalt  }
0x49: {  	_ =	shalt  }
0x4a: {  	_ =	shalt  }
0x4b: {  	_ =	shalt  }
0x4c: {  	_ =	shalt  }
0x4d: {  	_ =	shalt  }
0x4e: {  	_ =	shalt  }
0x4f: {  	_ =	shalt  }
0x50: {  	_ =	shalt  }
0x51: {  	_ =	shalt  }
0x52: {  	_ =	shalt  }
0x53: {  	_ =	shalt  }
0x54: {  	_ =	shalt  }
0x55: {  	_ =	shalt  }
0x56: {  	_ =	shalt  }
0x57: {  	_ =	shalt  }
0x58: {  	_ =	shalt  }
0x59: {  	_ =	shalt  }
0x5a: {  	_ =	shalt  }
0x5b: {  	_ =	shalt  }
0x5c: {  	_ =	shalt  }
0x5d: {  	_ =	shalt  }
0x5e: {  	_ =	shalt  }
0x5f: {  	_ =	shalt  }
0x60: {  	_ =	shalt  }
0x61: {  	_ =	shalt  }
0x62: {  	_ =	shalt  }
0x63: {  	_ =	shalt  }
0x64: {  	_ =	shalt  }
0x65: {  	_ =	shalt  }
0x66: {  	_ =	shalt  }
0x67: {  	_ =	shalt  }
0x68: {  	_ =	shalt  }
0x69: {  	_ =	shalt  }
0x6a: {  	_ =	shalt  }
0x6b: {  	_ =	shalt  }
0x6c: {  	_ =	shalt  }
0x6d: {  	_ =	shalt  }
0x6e: {  	_ =	shalt  }
0x6f: {  	_ =	shalt  }
0x70: {  	_ =	shalt  }
0x71: {  	_ =	shalt  }
0x72: {  	_ =	shalt  }
0x73: {  	_ =	shalt  }
0x74: {  	_ =	shalt  }
0x75: {  	_ =	shalt  }
0x76: {  	_ =	shalt  }
0x77: {  	_ =	shalt  }
0x78: {  	_ =	shalt  }
0x79: {  	_ =	shalt  }
0x7a: {  	_ =	shalt  }
0x7b: {  	_ =	shalt  }
0x7c: {  	_ =	shalt  }
0x7d: {  	_ =	shalt  }
0x7e: {  	_ =	shalt  }
0x7f: {  	_ =	shalt  }
0x80: {  	_ =	shalt  }
0x81: {  	_ =	shalt  }
0x82: {  	_ =	shalt  }
0x83: {  	_ =	shalt  }
0x84: {  	_ =	shalt  }
0x85: {  	_ =	shalt  }
0x86: {  	_ =	shalt  }
0x87: {  	_ =	shalt  }
.Lfunc_end0:
.L_simem_size_0:
called_computation.2_lowered:
.L_overlay_start_0:
0x88: {  	s2 =	sld [smem:$0x3FD9]  }
0x89: {  	s3 =	sld [smem:$0x3FFE];
	_ =	sdelay $0x1  }
0x8a: {  	s1 =	srdreg.scid  }
0x8b: {  	s0 =	sand.u32 $0x1, s1  }
0x8c: {  	s16 =	sshll.u32 s0, $0xA;
	s2 =	sadd.s32 s3, s2  }
0x8d: {  	s2 =	sadd.s32 s2, s16  }
0x8e: {  	[smem:$0x3FC2] =	sst s2  }
0x8f: {  	_ = 	snop  }
0x90: {  	(tm) =	ssettm $0x1  }
0x91: {  	s17 =	sld [smem:$0x3FFB];
	_ =	sdelay $0x3  }
0x92: {  	_ =	strace s17  }
0x93: {  	s2 =	sld [smem:$0x3FFC];
	_ =	sdelay $0x3  }
0x94: {  	_ =	strace s2  }
0x95: {  	s2 =	sld [smem:$0x3FFD];
	_ =	sdelay $0x3  }
0x96: {  	_ =	strace s2  }
0x97: {  	_ =	strace $0x8FFFFFFF  }
0x98: {  	s18 =	sld [smem:$0x3FDB];
	_ =	sdelay $0x1  }
0x99: {  	s19 =	simm.s32 $_scs_section_size  }
0x9a: {  	s4 =	simm.s32 $_size__tile_overlayer_lowered;
	s5 =	simm.s32 $_tile_overlayer_lowered  }
0x9b: {  	s22 =	simm.s32 $0x1BFF;
	s21 =	sshll.u32 s5, $0x1;
	s2 =	sadd.s32 s19, s18  }
0x9c: {  	s6 =	simm.s32 $0x0;
	s20 =	sshll.u32 s4, $0x1;
	s4 =	sadd.s32 s21, s2  }
0x9d: {  	[timem:s6], [sflag:s22] =	dma.local [hbm:s4], s20  }
0x9e: {  	_ =	swait.ge [sflag:s22], s20  }
0x9f: {  	s3 =	ssub.s32 $0x0, s20;
	[sflag:s22] =	ssyncset.done $0x0  }
0xa0: {  	[sflag:s22] =	ssyncadd.s32 s3;
	_ =	sdelay $0x1  }
0xa1: {  	s23 =	simm.s32 $0x1B8B  }
0xa2: {  	_ =	swait.ge [sflag:s23], $0x1  }
0xa3: {  	[sflag:s23] =	ssyncset.done $0x0  }
0xa4: {  	s25 =	simm.s32 $0x1B8E;
	s24 =	sld [smem:$0x3FFE];
	[sflag:s23] =	ssyncadd.s32 $0xFFFFFFFF  }
0xa5: {  	s26 =	simm.s32 $execute0_lowered;
	[smem:$0x3FD2] =	sst s25  }
0xa6: {  	s4 =	sshll.u32 s26, $0x1;
	_ =	strace $0x8000004C;
	[dreg:$0x1] =	wrdreg $0xFFFFFFFF  }
0xa7: {  	s28 =	simm.s32 $_size_execute0_lowered;
	s2 =	sadd.s32 s2, s4;
	[dreg:$0x0] =	wrdreg $0x0  }
0xa8: {  	s4 =	sshll.u32 s28, $0x1;
	[dreg:$0x2] =	wrdreg s2  }
0xa9: {  	[dreg:$0x3] =	wrdreg s4  }
0xaa: {  	[dreg:$0x4] =	wrdreg $0xC0  }
0xab: {  	_ =	task [dreg:s6], $0x5FFFF  }
0xac: {  	[dreg:$0x1] =	wrdreg $0xFFFFFFFF  }
0xad: {  	[dreg:$0x0] =	wrdreg $0x60  }
0xae: {  	[dreg:$0x2] =	wrdreg s24  }
0xaf: {  	[dreg:$0x3] =	wrdreg $0x7B800  }
0xb0: {  	[dreg:$0x4] =	wrdreg $0x9  }
0xb1: {  	_ =	task.clear_ibuf [dreg:s6], $0x5FFFF;
	_ =	strace $0x9000004C  }
0xb2: {  	s29 =	simm.s32 $0x9;
	_ =	strace $0x8000004E  }
0xb3: {  	_ =	swait.ge [sflag:s29], $0x1  }
0xb4: {  	[sflag:s29] =	ssyncadd.s32 $0xFFFFFFFF  }
0xb5: {  	_ =	strace $0x9000004E  }
0xb6: {  	_ =	sfence  }
0xb7: {  	s30 =	sld [smem:$0x0];
	_ =	sdelay $0x2  }
0xb8: {  	s31 =	sshll.u32 s1, $0xD;
	s1 =	sshrl.u32 s1, $0x2  }
0xb9: {  	s3 =	sand.u32 $0x4000, s31;
	s1 =	sadd.s32 s1, s30  }
0xba: {  	s0 =	sor.u32 s3, s0;
	s1 =	sshll.u32 s1, $0x11  }
0xbb: {  	s0 =	sor.u32 s1, s0  }
0xbc: {  	s0 =	sadd.s32 $0x8F2B, s0  }
0xbd: {  	[sflag:s0] =	ssyncadd.remote.s32 $0x1  }
0xbe: {  	_ =	sfence.sel $0xFFFF  }
0xbf: {  	[dreg:$0x0] =	wrdreg $0xFFFFFFFF;
	(pc) =	sbr.abs _section_cstart, $3  }
0xc0: {  	[dreg:$0x1] =	wrdreg $0xFFFFFFFF  }
0xc1: {  	_ =	task.clear_ibuf [dreg:s6], $0x2FFFF;
	_ =	strace $0x9FFFFFFF  }
0xc2: {  	(tm) =	ssettm $0x7FFFFFFF  }
0xc3: {  	_ =	shalt  }
tec
execute0_lowered:
.L_overlay_start_1:
0x0: {  	(tag) =	ssettag $0x1  }
0x1: {  	s5 =	rddreg [dreg:$0x0]  }
0x2: {  	s0 =	srdreg.scid;
	s2 =	rddreg [dreg:$0x1]  }
0x3: {  	s3 =	simm.s32 $0x0;
	s12 =	simm.s32 $0x7900;
	s13 =	simm.s32 $0x3  }
0x4: {  	s14 =	simm.s32 $0x1;
	s15 =	simm.s32 $0x80;
	s16 =	simm.s32 $0x7800  }
0x5: {  	s17 =	simm.s32 $0x2880;
	s18 =	simm.s32 $0x7880;
	s19 =	simm.s32 $0x2  }
0x6: {  	s22 =	simm.s32 $0x20;
	s23 =	simm.s32 $0x10;
	s24 =	simm.s32 $0x0  }
0x7: {  	s4 =	sand.u32 $0x1, s0;
	s0 =	stileid.u32;
	[smem:$0x7FF] =	sst s3  }
0x8: {  	s1 =	sshll.u32 s4, $0x4;
	s7 =	smul.u32 $0x500, s0;
	s8 =	sshll.u32 s4, $0x7  }
0x9: {  	s30 =	ssub.s32 $0x2, s4;
	s9 =	smul.u32 $0xA00, s0;
	s4 =	sadd.s32 $0x15E00, s5  }
0xa: {  	s20 =	sshll.u32 s0, $0x6;
	s6 =	sor.u32 s0, s1;
	s1 =	rddreg [dreg:$0x2]  }
0xb: {  	_ =	strace $0x8000004D;
	s10 =	sshrl.u32 s30, $0x1;
	s20 =	sor.u32 $0x1C03, s20  }
0xc: {  	s6 =	smul.u32 $0x500, s6;
	s7 =	sor.u32 s8, s7;
	s10 =	ssub.s32 s30, s10  }
0xd: {  	s31 =	sshrl.u32 s9, $0x2;
	s7 =	sshrl.u32 s7, $0x3;
	s9 =	smax.u32 s10, $0x1  }
0xe: {  	s10 =	simm.s32 $0x2800;
	s6 =	sadd.s32 s6, s5;
	s11 =	sadd.s32 s7, s5  }
0xf: {  	s7 =	sadd.s32 s31, s2;
	s5 =	sadd.s32 $0xBE00, s6;
	s6 =	sadd.s32 $0x1E00, s6  }
0x10: {  	v0 =	vimm.f32 $0.0e+00;
	s8 =	sadd.s32 $0x16400, s11;
	s11 =	simm.s32 $0x5000;
	s21 =	sshrl.u32 s7, $0x3  }
.LBB2_1:
0x11: {  	[tilespmem:s3], [sflag:$0x1] =	stream.linear.gather [hbm4b:s5+s3], $0x2800, $0x38;
	[tilespmem:$0x7E00] =	vst v63  }
0x12: {  	_ = 	snop  }
0x13: {  	[tilespmem:s10], [sflag:$0x1] =	stream.linear.gather [hbm4b:s6+s3], $0x2800, $0x38;
	[tilespmem:$0x7E00] =	vst v63  }
0x14: {  	_ = 	snop  }
0x15: {  	[tilespmem:s11], [sflag:$0x1] =	stream.linear.gather [hbm4b:s4+s3], $0x2800, $0x38;
	[tilespmem:$0x7E00] =	vst v63  }
0x16: {  	[tilespmem:$0x7900] =	vst v0  }
0x17: {  	[tilespmem:$0x7910] =	vst v0  }
0x18: {  	[tilespmem:$0x7920] =	vst v0  }
0x19: {  	[tilespmem:$0x7930] =	vst v0  }
0x1a: {  	[tilespmem:$0x7940] =	vst v0  }
0x1b: {  	[tilespmem:$0x7950] =	vst v0  }
0x1c: {  	[tilespmem:$0x7960] =	vst v0  }
0x1d: {  	[tilespmem:$0x7970] =	vst v0  }
0x1e: {  	[tilespmem:$0x7980] =	vst v0  }
0x1f: {  	[tilespmem:$0x7990] =	vst v0  }
0x20: {  	[tilespmem:$0x79A0] =	vst v0  }
0x21: {  	[tilespmem:$0x79B0] =	vst v0  }
0x22: {  	[tilespmem:$0x79C0] =	vst v0  }
0x23: {  	[tilespmem:$0x79D0] =	vst v0  }
0x24: {  	[tilespmem:$0x79E0] =	vst v0  }
0x25: {  	[tilespmem:$0x79F0] =	vst v0  }
0x26: {  	[tilespmem:$0x7A00] =	vst v0  }
0x27: {  	[tilespmem:$0x7A10] =	vst v0  }
0x28: {  	[tilespmem:$0x7A20] =	vst v0  }
0x29: {  	[tilespmem:$0x7A30] =	vst v0  }
0x2a: {  	[tilespmem:$0x7A40] =	vst v0  }
0x2b: {  	[tilespmem:$0x7A50] =	vst v0  }
0x2c: {  	[tilespmem:$0x7A60] =	vst v0  }
0x2d: {  	[tilespmem:$0x7A70] =	vst v0  }
0x2e: {  	[tilespmem:$0x7A80] =	vst v0  }
0x2f: {  	[tilespmem:$0x7A90] =	vst v0  }
0x30: {  	[tilespmem:$0x7AA0] =	vst v0  }
0x31: {  	[tilespmem:$0x7AB0] =	vst v0  }
0x32: {  	[tilespmem:$0x7AC0] =	vst v0  }
0x33: {  	[tilespmem:$0x7AD0] =	vst v0  }
0x34: {  	[tilespmem:$0x7AE0] =	vst v0  }
0x35: {  	[tilespmem:$0x7AF0] =	vst v0  }
0x36: {  	[tilespmem:$0x7B00] =	vst v0  }
0x37: {  	[tilespmem:$0x7B10] =	vst v0  }
0x38: {  	[tilespmem:$0x7B20] =	vst v0  }
0x39: {  	[tilespmem:$0x7B30] =	vst v0  }
0x3a: {  	[tilespmem:$0x7B40] =	vst v0  }
0x3b: {  	[tilespmem:$0x7B50] =	vst v0  }
0x3c: {  	[tilespmem:$0x7B60] =	vst v0  }
0x3d: {  	[tilespmem:$0x7B70] =	vst v0  }
0x3e: {  	[spmem:s7] =	stream.linear.scatter [tilespmem:s12], [sflag:$0x3], $0x280, $0x38;
	[tilespmem:$0x7E00] =	vst v63  }
0x3f: {  	_ =	swait.ge [sflag:s13], $0x280  }
0x40: {  	[sflag:s13] =	ssyncset.done $0x0  }
0x41: {  	[sflag:s13] =	ssyncadd.s32 $0xFFFFFD80  }
0x42: {  	_ =	swait.ge [sflag:s14], $0x2800  }
0x43: {  	[sflag:s14] =	ssyncset.done $0x0  }
0x44: {  	[sflag:s14] =	ssyncadd.s32 $0xFFFFD800  }
0x45: {  	_ =	swait.ge [sflag:s14], $0x2800  }
0x46: {  	[sflag:s14] =	ssyncset.done $0x0  }
0x47: {  	[sflag:s14] =	ssyncadd.s32 $0xFFFFD800  }
0x48: {  	_ =	swait.ge [sflag:s14], $0x2800  }
0x49: {  	[sflag:s14] =	ssyncset.done $0x0  }
0x4a: {  	[sflag:s14] =	ssyncadd.s32 $0xFFFFD800  }
0x4b: {  	[bflag:$0x0] =	sbarrier.arrive $0xFFFF  }
0x4c: {  	v1 =	vld [tilespmem:$0x0];
	_ =	sdelay $0x5  }
0x4d: {  	v2 =	vld [tilespmem:$0x10];
	_ =	sdelay $0x1  }
0x4e: {  	v1 =	vld.idx.msk [tilespmem:v1+s11+$0x0], $0xffff;
	_ =	sdelay $0x3  }
0x4f: {  	v3 =	vld [tilespmem:$0x20]  }
0x50: {  	[tilespmem:$0x7800] =	vst v1  }
0x51: {  	v1 =	vld.idx.msk [tilespmem:v2+s11+$0x0], $0xffff;
	_ =	sdelay $0x3  }
0x52: {  	v2 =	vld [tilespmem:$0x30]  }
0x53: {  	[tilespmem:$0x7810] =	vst v1  }
0x54: {  	v1 =	vld.idx.msk [tilespmem:v3+s11+$0x0], $0xffff;
	_ =	sdelay $0x3  }
0x55: {  	v3 =	vld [tilespmem:$0x40]  }
0x56: {  	[tilespmem:$0x7820] =	vst v1  }
0x57: {  	v1 =	vld.idx.msk [tilespmem:v2+s11+$0x0], $0xffff;
	_ =	sdelay $0x3  }
0x58: {  	v2 =	vld [tilespmem:$0x50]  }
0x59: {  	[tilespmem:$0x7830] =	vst v1  }
0x5a: {  	v1 =	vld.idx.msk [tilespmem:v3+s11+$0x0], $0xffff;
	_ =	sdelay $0x3  }
0x5b: {  	v3 =	vld [tilespmem:$0x60]  }
0x5c: {  	[tilespmem:$0x7840] =	vst v1  }
0x5d: {  	v1 =	vld.idx.msk [tilespmem:v2+s11+$0x0], $0xffff;
	_ =	sdelay $0x3  }
0x5e: {  	v2 =	vld [tilespmem:$0x70]  }
0x5f: {  	[tilespmem:$0x7850] =	vst v1  }
0x60: {  	v1 =	vld.idx.msk [tilespmem:v3+s11+$0x0], $0xffff;
	_ =	sdelay $0x4  }
0x61: {  	[tilespmem:$0x7860] =	vst v1  }
0x62: {  	v1 =	vld.idx.msk [tilespmem:v2+s11+$0x0], $0xffff;
	_ =	sdelay $0x4  }
0x63: {  	[tilespmem:$0x7870] =	vst v1  }
0x64: {  	[spmem:s2] =	stream.indirect.scatter.add.f32 [tilespmem:s16], [sflag:$0x1], $0x1, s10, s15, $0xb8;
	[tilespmem:$0x7E00] =	vst v63  }
0x65: {  	v1 =	vld [tilespmem:$0x80];
	_ =	sdelay $0x5  }
0x66: {  	v2 =	vld [tilespmem:$0x90];
	_ =	sdelay $0x1  }
0x67: {  	v1 =	vld.idx.msk [tilespmem:v1+s11+$0x0], $0xffff;
	_ =	sdelay $0x3  }
0x68: {  	v3 =	vld [tilespmem:$0xA0]  }
0x69: {  	[tilespmem:$0x7880] =	vst v1  }
0x6a: {  	v1 =	vld.idx.msk [tilespmem:v2+s11+$0x0], $0xffff;
	_ =	sdelay $0x3  }
0x6b: {  	v2 =	vld [tilespmem:$0xB0]  }
0x6c: {  	[tilespmem:$0x7890] =	vst v1  }
0x6d: {  	v1 =	vld.idx.msk [tilespmem:v3+s11+$0x0], $0xffff;
	_ =	sdelay $0x3  }
0x6e: {  	v3 =	vld [tilespmem:$0xC0]  }
0x6f: {  	[tilespmem:$0x78A0] =	vst v1  }
0x70: {  	v1 =	vld.idx.msk [tilespmem:v2+s11+$0x0], $0xffff;
	_ =	sdelay $0x3  }
0x71: {  	v2 =	vld [tilespmem:$0xD0]  }
0x72: {  	[tilespmem:$0x78B0] =	vst v1  }
0x73: {  	v1 =	vld.idx.msk [tilespmem:v3+s11+$0x0], $0xffff;
	_ =	sdelay $0x3  }
0x74: {  	v3 =	vld [tilespmem:$0xE0]  }
0x75: {  	[tilespmem:$0x78C0] =	vst v1  }
0x76: {  	v1 =	vld.idx.msk [tilespmem:v2+s11+$0x0], $0xffff;
	_ =	sdelay $0x3  }
0x77: {  	v2 =	vld [tilespmem:$0xF0]  }
0x78: {  	[tilespmem:$0x78D0] =	vst v1  }
0x79: {  	v1 =	vld.idx.msk [tilespmem:v3+s11+$0x0], $0xffff;
	_ =	sdelay $0x4  }
0x7a: {  	[tilespmem:$0x78E0] =	vst v1  }
0x7b: {  	v1 =	vld.idx.msk [tilespmem:v2+s11+$0x0], $0xffff;
	_ =	sdelay $0x4  }
0x7c: {  	s25 =	simm.s32 $0x0;
	[tilespmem:$0x78F0] =	vst v1  }
0x7d: {  	[spmem:s2] =	stream.indirect.scatter.add.f32 [tilespmem:s18], [sflag:$0x2], $0x1, s17, s15, $0xb8;
	[tilespmem:$0x7E00] =	vst v63  }
.LBB2_2:
0x7e: {  	_ =	swait.ge [sflag:s14], $0x80  }
0x7f: {  	[sflag:s14] =	ssyncset.done $0x0  }
0x80: {  	s26 =	sshra.s32 s25, $0x2;
	[sflag:s14] =	ssyncadd.s32 $0xFFFFFF80  }
0x81: {  	v1 =	vld [tilespmem:s26+$0x100];
	_ =	sdelay $0x7  }
0x82: {  	v1 =	vld.idx.msk [tilespmem:v1+s11+$0x0], $0xffff;
	_ =	sdelay $0x4  }
0x83: {  	[tilespmem:$0x7800] =	vst v1  }
0x84: {  	v1 =	vld [tilespmem:s26+$0x110];
	_ =	sdelay $0x7  }
0x85: {  	v1 =	vld.idx.msk [tilespmem:v1+s11+$0x0], $0xffff;
	_ =	sdelay $0x4  }
0x86: {  	[tilespmem:$0x7810] =	vst v1  }
0x87: {  	v1 =	vld [tilespmem:s26+$0x120];
	_ =	sdelay $0x7  }
0x88: {  	v1 =	vld.idx.msk [tilespmem:v1+s11+$0x0], $0xffff;
	_ =	sdelay $0x4  }
0x89: {  	[tilespmem:$0x7820] =	vst v1  }
0x8a: {  	v1 =	vld [tilespmem:s26+$0x130];
	_ =	sdelay $0x7  }
0x8b: {  	v1 =	vld.idx.msk [tilespmem:v1+s11+$0x0], $0xffff;
	_ =	sdelay $0x4  }
0x8c: {  	[tilespmem:$0x7830] =	vst v1  }
0x8d: {  	v1 =	vld [tilespmem:s26+$0x140];
	_ =	sdelay $0x7  }
0x8e: {  	v1 =	vld.idx.msk [tilespmem:v1+s11+$0x0], $0xffff;
	_ =	sdelay $0x4  }
0x8f: {  	[tilespmem:$0x7840] =	vst v1  }
0x90: {  	v1 =	vld [tilespmem:s26+$0x150];
	_ =	sdelay $0x7  }
0x91: {  	v1 =	vld.idx.msk [tilespmem:v1+s11+$0x0], $0xffff;
	_ =	sdelay $0x4  }
0x92: {  	[tilespmem:$0x7850] =	vst v1  }
0x93: {  	v1 =	vld [tilespmem:s26+$0x160];
	_ =	sdelay $0x7  }
0x94: {  	v1 =	vld.idx.msk [tilespmem:v1+s11+$0x0], $0xffff;
	_ =	sdelay $0x4  }
0x95: {  	[tilespmem:$0x7860] =	vst v1  }
0x96: {  	v1 =	vld [tilespmem:s26+$0x170];
	_ =	sdelay $0x7  }
0x97: {  	v1 =	vld.idx.msk [tilespmem:v1+s11+$0x0], $0xffff;
	_ =	sdelay $0x4  }
0x98: {  	s28 =	sadd.s32 $0x2900, s26;
	[tilespmem:$0x7870] =	vst v1  }
0x99: {  	[spmem:s2] =	stream.indirect.scatter.add.f32 [tilespmem:s16], [sflag:$0x1], $0x1, s28, s15, $0xb8;
	[tilespmem:$0x7E00] =	vst v63  }
0x9a: {  	_ =	swait.ge [sflag:s19], $0x80  }
0x9b: {  	[sflag:s19] =	ssyncset.done $0x0  }
0x9c: {  	[sflag:s19] =	ssyncadd.s32 $0xFFFFFF80  }
0x9d: {  	v1 =	vld [tilespmem:s26+$0x180];
	_ =	sdelay $0x7  }
0x9e: {  	v1 =	vld.idx.msk [tilespmem:v1+s11+$0x0], $0xffff;
	_ =	sdelay $0x4  }
0x9f: {  	[tilespmem:$0x7880] =	vst v1  }
0xa0: {  	v1 =	vld [tilespmem:s26+$0x190];
	_ =	sdelay $0x7  }
0xa1: {  	v1 =	vld.idx.msk [tilespmem:v1+s11+$0x0], $0xffff;
	_ =	sdelay $0x4  }
0xa2: {  	[tilespmem:$0x7890] =	vst v1  }
0xa3: {  	v1 =	vld [tilespmem:s26+$0x1A0];
	_ =	sdelay $0x7  }
0xa4: {  	v1 =	vld.idx.msk [tilespmem:v1+s11+$0x0], $0xffff;
	_ =	sdelay $0x4  }
0xa5: {  	[tilespmem:$0x78A0] =	vst v1  }
0xa6: {  	v1 =	vld [tilespmem:s26+$0x1B0];
	_ =	sdelay $0x7  }
0xa7: {  	v1 =	vld.idx.msk [tilespmem:v1+s11+$0x0], $0xffff;
	_ =	sdelay $0x4  }
0xa8: {  	[tilespmem:$0x78B0] =	vst v1  }
0xa9: {  	v1 =	vld [tilespmem:s26+$0x1C0];
	_ =	sdelay $0x7  }
0xaa: {  	v1 =	vld.idx.msk [tilespmem:v1+s11+$0x0], $0xffff;
	_ =	sdelay $0x4  }
0xab: {  	[tilespmem:$0x78C0] =	vst v1  }
0xac: {  	v1 =	vld [tilespmem:s26+$0x1D0];
	_ =	sdelay $0x7  }
0xad: {  	v1 =	vld.idx.msk [tilespmem:v1+s11+$0x0], $0xffff;
	_ =	sdelay $0x4  }
0xae: {  	[tilespmem:$0x78D0] =	vst v1  }
0xaf: {  	v1 =	vld [tilespmem:s26+$0x1E0];
	_ =	sdelay $0x7  }
0xb0: {  	v1 =	vld.idx.msk [tilespmem:v1+s11+$0x0], $0xffff;
	_ =	sdelay $0x4  }
0xb1: {  	[tilespmem:$0x78E0] =	vst v1  }
0xb2: {  	v1 =	vld [tilespmem:s26+$0x1F0];
	_ =	sdelay $0x7  }
0xb3: {  	v1 =	vld.idx.msk [tilespmem:v1+s11+$0x0], $0xffff  }
0xb4: {  	p0 =	sne.s32 s25, $0x9800  }
.Ltmp0:
0xb5: {  	_ = 	snop;
	(pc) =	sbr.rel @p0 .LBB2_2-.Ltmp0, $3  }
0xb6: {  	_ =	sdelay $0x1  }
0xb7: {  	s25 =	sadd.s32 $0x400, s25;
	s26 =	sadd.s32 $0x2980, s26;
	[tilespmem:$0x78F0] =	vst v1  }
0xb8: {  	[spmem:s2] =	stream.indirect.scatter.add.f32 [tilespmem:s18], [sflag:$0x2], $0x1, s26, s15, $0xb8;
	[tilespmem:$0x7E00] =	vst v63  }
0xb9: {  	_ =	swait.ge [sflag:s14], $0x80  }
0xba: {  	[sflag:s14] =	ssyncset.done $0x0  }
0xbb: {  	[sflag:s14] =	ssyncadd.s32 $0xFFFFFF80  }
0xbc: {  	_ =	swait.ge [sflag:s19], $0x80  }
0xbd: {  	s24 =	sadd.s32 $0x1, s24;
	[sflag:s19] =	ssyncset.done $0x0  }
0xbe: {  	p0 =	sne.s32 s24, s9;
	[sflag:s19] =	ssyncadd.s32 $0xFFFFFF80  }
.Ltmp1:
0xbf: {  	[bflag:$0x0] =	sbarrier.arrive $0xFFFF;
	(pc) =	sbr.rel @p0 .LBB2_1-.Ltmp1, $4  }
0xc0: {  	[hbm:s8@s22], [sflag:s20] =	dma.strided [spmem:s21@s23], $0x50, s14, $0x10   }
0xc1: {  	_ =	swait.ge [sflag:s13], $0x50  }
0xc2: {  	[sflag:s13] =	ssyncset.done $0x0  }
0xc3: {  	[sflag:s13] =	ssyncadd.s32 $0xFFFFFFB0  }
0xc4: {  	_ =	sfence.sel $0x180000  }
0xc5: {  	[bflag:$0x0] =	sbarrier.arrive $0xFFFF  }
0xc6: {  	p0 =	sne.s32 s0, $0x0;
	_ =	strace $0x9000004D  }
0xc7: {  	s0 =	sadd.s32 @!p0 $0x100000, s1;
	[bflag:$0x2] =	sbarrier.arrive $0xFFFF  }
0xc8: {  	[sflag:s0] =	ssyncadd.tile.s32 @!p0 $0x1;
	_ =	shalt  }
.Lfunc_end2:
_tile_overlayer_lowered:
.L_overlay_start_2:
0xc9: {  	(tag) =	ssettag $0x2  }
0xca: {  	s0 =	rddreg [dreg:$0x0];
	s2 =	stileid.u32  }
0xcb: {  	s1 =	rddreg [dreg:$0x1];
	p0 =	sne.s32 s2, $0x0  }
0xcc: {  	s3 =	rddreg [dreg:$0x2];
	[bflag:$0x3] =	sbarrier.arrive $0xFFFF;
	s2 =	simm.s32 @!p0 $0x1C03  }
0xcd: {  	[timem:s3], [sflag:s2] =	dma.local @!p0 [hbm:s0], s1  }
0xce: {  	s0 =	simm.s32 @!p0 $0x3  }
0xcf: {  	_ =	swait.ge @!p0 [sflag:s0], s1  }
0xd0: {  	s1 =	ssub.s32 @!p0 $0x0, s1;
	[sflag:s0] =	ssyncset.done @!p0 $0x0  }
0xd1: {  	[sflag:s0] =	ssyncadd.s32 @!p0 s1  }
0xd2: {  	[bflag:$0x3] =	sbarrier.arrive $0xFFFF  }
0xd3: {  	_ =	shalt  }

// kernel: _run.8.cloned.1.call-start
scs
__scs_entry_jumppad:
0x0: {  	(pc) =	sbr.rel $0x88, $3  }
0x1: {  	(tag) =	ssettag $0x0;
	lr =	simm.s32 $0x1  }
0x2: {  	[smem:$0x3F9B] =	sst lr;
	_ =	strace $0xD0000000  }
0x3: {  	_ = 	snop  }
0x4: {  	_ = 	snop  }
0x5: {  	_ = 	snop  }
0x6: {  	_ = 	snop  }
0x7: {  	_ = 	snop  }
__scs_overlays_trampoline_lowered:
0x8: {  	[smem:$0x3FAA] =	sst s0  }
0x9: {  	[smem:$0x3FAB] =	sst s1  }
0xa: {  	[smem:$0x3FAC] =	sst s2  }
0xb: {  	[smem:$0x3FAD] =	sst s3  }
0xc: {  	[smem:$0x3FAE] =	sst s4  }
0xd: {  	[smem:$0x3FAF] =	sst s5  }
0xe: {  	[smem:$0x3FB0] =	sst s6  }
0xf: {  	[smem:$0x3FB1] =	sst s7  }
0x10: {  	[smem:$0x3FB2] =	sst s8  }
0x11: {  	[smem:$0x3FB3] =	sst s9;
	s0 =	simm.s32 @!p0 $0x0  }
0x12: {  	s1 =	sld [smem:$0x3F99];
	s0 =	simm.s32 @p0 $0x1  }
0x13: {  	[smem:$0x3FB4] =	sst s0;
	s0 =	simm.s32 @!p1 $0x0  }
0x14: {  	s2 =	sld [smem:$0x3F98];
	s0 =	simm.s32 @p1 $0x1  }
0x15: {  	[smem:$0x3FB5] =	sst s0;
	s0 =	simm.s32 @!p2 $0x0  }
0x16: {  	s3 =	sld [smem:$0x3FDB];
	s0 =	simm.s32 @p2 $0x1  }
0x17: {  	s4 =	simm.s32 $0x1BF5;
	[smem:$0x3FB7] =	sst s0  }
0x18: {  	s0 =	sld [smem:$0x3F9A];
	_ =	swait.ge [sflag:s4], $0x0  }
0x19: {  	s7 =	sld [smem:$0x3F9B]  }
0x1a: {  	s8 =	sadd.s32 $0xFFFFE003, lr  }
0x1b: {  	s9 =	sadd.s32 $0xFFFFFEF7, lr;
	s5 =	simm.s32 $0xFFFFFFFF;
	p2 =	slt.u32 s8, $0xFFFFF086  }
0x1c: {  	p1 =	slt.u32 s9, $0xF7A;
	s5 =	simm.s32 @!p2 $0x0  }
0x1d: {  	s5 =	simm.s32 @p1 $0x1;
	p0 =	seq.s32 s7, s2  }
0x1e: {  	s7 =	smul.u32 @!p0 $0xF7A, s2;
	p2 =	seq.s32 @!p0 s5, $0x0  }
0x1f: {  	s9 =	smul.u32 $0xF7A, s1;
	s8 =	simm.s32 @!p0 $0x1BF5;
	p2 =	por !p2, p0  }
0x20: {  	[sflag:s8] =	ssyncset.s32 @!p0 $0xFFFFF086;
	s6 =	sadd.s32 @!p0 s3, s7;
	s7 =	simm.s32 @!p0 $0x108  }
0x21: {  	s3 =	sadd.s32 s3, s9;
	s6 =	sadd.s32 @!p0 $0x88, s6;
	s7 =	simm.s32 @p2 $0x1082  }
0x22: {  	[simem:s7], [sflag:s8] =	dma.local @!p0 [hbm:s6], $0xF7A  }
0x23: {  	s9 =	sor.u32 $0xD0000000, s2;
	s6 =	simm.s32 $0x108;
	_ =	swait.ge @!p0 [sflag:s8], $0x0  }
0x24: {  	s3 =	sadd.s32 $0x88, s3;
	s6 =	simm.s32 @!p1 $0x1082;
	[sflag:s4] =	ssyncset.s32 $0xFFFFF086  }
0x25: {  	[simem:s6], [sflag:s4] =	dma.local [hbm:s3], $0xF7A  }
0x26: {  	[smem:$0x3F9B] =	sst s1;
	(tag) =	ssettag s2;
	_ =	strace s9  }
0x27: {  	s1 =	sld [smem:$0x3FAB]  }
0x28: {  	s2 =	sld [smem:$0x3FAC]  }
0x29: {  	s4 =	sld [smem:$0x3FAE]  }
0x2a: {  	p0 =	seq.s32 s5, $0x0;
	s5 =	sld [smem:$0x3FAF]  }
0x2b: {  	s6 =	sld [smem:$0x3FB0]  }
0x2c: {  	s7 =	sld [smem:$0x3FB1]  }
0x2d: {  	s3 =	simm.s32 $0x108;
	s8 =	sld [smem:$0x3FB2]  }
0x2e: {  	s3 =	simm.s32 @!p0 $0x1082;
	s9 =	sld [smem:$0x3FB3]  }
0x2f: {  	lr =	sadd.s32 s0, s3;
	s0 =	sld [smem:$0x3FAA]  }
0x30: {  	s3 =	sld [smem:$0x3FAD]  }
0x31: {  	[smem:$0x3FB6] =	sst s10  }
0x32: {  	s10 =	sld [smem:$0x3FB4];
	_ =	sdelay $0x3  }
0x33: {  	p0 =	seq.s32 s10, $0x1;
	s10 =	sld [smem:$0x3FB6];
	_ =	sdelay $0x3  }
0x34: {  	[smem:$0x3FB6] =	sst s10  }
0x35: {  	s10 =	sld [smem:$0x3FB5];
	_ =	sdelay $0x3  }
0x36: {  	p1 =	seq.s32 s10, $0x1;
	s10 =	sld [smem:$0x3FB6];
	_ =	sdelay $0x3  }
0x37: {  	[smem:$0x3FB6] =	sst s10  }
0x38: {  	s10 =	sld [smem:$0x3FB7]  }
0x39: {  	_ = 	snop;
	(pc) =	sbr.ind lr, $3  }
0x3a: {  	_ = 	snop  }
0x3b: {  	_ = 	snop  }
0x3c: {  	p2 =	seq.s32 s10, $0x1;
	s10 =	sld [smem:$0x3FB6]  }
0x3d: {  	_ =	shalt  }
0x3e: {  	_ =	shalt  }
0x3f: {  	_ =	shalt  }
0x40: {  	_ =	shalt  }
0x41: {  	_ =	shalt  }
0x42: {  	_ =	shalt  }
0x43: {  	_ =	shalt  }
0x44: {  	_ =	shalt  }
0x45: {  	_ =	shalt  }
0x46: {  	_ =	shalt  }
0x47: {  	_ =	shalt  }
0x48: {  	_ =	shalt  }
0x49: {  	_ =	shalt  }
0x4a: {  	_ =	shalt  }
0x4b: {  	_ =	shalt  }
0x4c: {  	_ =	shalt  }
0x4d: {  	_ =	shalt  }
0x4e: {  	_ =	shalt  }
0x4f: {  	_ =	shalt  }
0x50: {  	_ =	shalt  }
0x51: {  	_ =	shalt  }
0x52: {  	_ =	shalt  }
0x53: {  	_ =	shalt  }
0x54: {  	_ =	shalt  }
0x55: {  	_ =	shalt  }
0x56: {  	_ =	shalt  }
0x57: {  	_ =	shalt  }
0x58: {  	_ =	shalt  }
0x59: {  	_ =	shalt  }
0x5a: {  	_ =	shalt  }
0x5b: {  	_ =	shalt  }
0x5c: {  	_ =	shalt  }
0x5d: {  	_ =	shalt  }
0x5e: {  	_ =	shalt  }
0x5f: {  	_ =	shalt  }
0x60: {  	_ =	shalt  }
0x61: {  	_ =	shalt  }
0x62: {  	_ =	shalt  }
0x63: {  	_ =	shalt  }
0x64: {  	_ =	shalt  }
0x65: {  	_ =	shalt  }
0x66: {  	_ =	shalt  }
0x67: {  	_ =	shalt  }
0x68: {  	_ =	shalt  }
0x69: {  	_ =	shalt  }
0x6a: {  	_ =	shalt  }
0x6b: {  	_ =	shalt  }
0x6c: {  	_ =	shalt  }
0x6d: {  	_ =	shalt  }
0x6e: {  	_ =	shalt  }
0x6f: {  	_ =	shalt  }
0x70: {  	_ =	shalt  }
0x71: {  	_ =	shalt  }
0x72: {  	_ =	shalt  }
0x73: {  	_ =	shalt  }
0x74: {  	_ =	shalt  }
0x75: {  	_ =	shalt  }
0x76: {  	_ =	shalt  }
0x77: {  	_ =	shalt  }
0x78: {  	_ =	shalt  }
0x79: {  	_ =	shalt  }
0x7a: {  	_ =	shalt  }
0x7b: {  	_ =	shalt  }
0x7c: {  	_ =	shalt  }
0x7d: {  	_ =	shalt  }
0x7e: {  	_ =	shalt  }
0x7f: {  	_ =	shalt  }
0x80: {  	_ =	shalt  }
0x81: {  	_ =	shalt  }
0x82: {  	_ =	shalt  }
0x83: {  	_ =	shalt  }
0x84: {  	_ =	shalt  }
0x85: {  	_ =	shalt  }
0x86: {  	_ =	shalt  }
0x87: {  	_ =	shalt  }
.Lfunc_end0:
.L_simem_size_0:
called_computation_lowered:
.L_overlay_start_0:
0x88: {  	s2 =	sld [smem:$0x3FD9]  }
0x89: {  	s3 =	sld [smem:$0x3FFE];
	_ =	sdelay $0x1  }
0x8a: {  	s1 =	srdreg.scid  }
0x8b: {  	s0 =	sand.u32 $0x1, s1  }
0x8c: {  	s16 =	sshll.u32 s0, $0xA;
	s2 =	sadd.s32 s3, s2  }
0x8d: {  	s2 =	sadd.s32 s2, s16  }
0x8e: {  	[smem:$0x3FC2] =	sst s2  }
0x8f: {  	_ = 	snop  }
0x90: {  	(tm) =	ssettm $0x1  }
0x91: {  	s17 =	sld [smem:$0x3FFB];
	_ =	sdelay $0x3  }
0x92: {  	_ =	strace s17  }
0x93: {  	s2 =	sld [smem:$0x3FFC];
	_ =	sdelay $0x3  }
0x94: {  	_ =	strace s2  }
0x95: {  	s2 =	sld [smem:$0x3FFD];
	_ =	sdelay $0x3  }
0x96: {  	_ =	strace s2  }
0x97: {  	_ =	strace $0x8FFFFFFF  }
0x98: {  	s18 =	sld [smem:$0x3FDB];
	_ =	sdelay $0x1  }
0x99: {  	s19 =	simm.s32 $_scs_section_size  }
0x9a: {  	s4 =	simm.s32 $_size__tile_overlayer_lowered;
	s5 =	simm.s32 $_tile_overlayer_lowered  }
0x9b: {  	s22 =	simm.s32 $0x1BFF;
	s21 =	sshll.u32 s5, $0x1;
	s2 =	sadd.s32 s19, s18  }
0x9c: {  	s6 =	simm.s32 $0x0;
	s20 =	sshll.u32 s4, $0x1;
	s4 =	sadd.s32 s21, s2  }
0x9d: {  	[timem:s6], [sflag:s22] =	dma.local [hbm:s4], s20  }
0x9e: {  	_ =	swait.ge [sflag:s22], s20  }
0x9f: {  	s3 =	ssub.s32 $0x0, s20;
	[sflag:s22] =	ssyncset.done $0x0  }
0xa0: {  	[sflag:s22] =	ssyncadd.s32 s3;
	_ =	sdelay $0x1  }
0xa1: {  	s23 =	simm.s32 $0x1B8B  }
0xa2: {  	_ =	swait.ge [sflag:s23], $0x1  }
0xa3: {  	[sflag:s23] =	ssyncset.done $0x0  }
0xa4: {  	s25 =	simm.s32 $0x1B8E;
	s24 =	sld [smem:$0x3FFE];
	[sflag:s23] =	ssyncadd.s32 $0xFFFFFFFF  }
0xa5: {  	s26 =	simm.s32 $execute0_lowered;
	[smem:$0x3FD2] =	sst s25  }
0xa6: {  	s4 =	sshll.u32 s26, $0x1;
	_ =	strace $0x80000046;
	[dreg:$0x1] =	wrdreg $0xFFFFFFFF  }
0xa7: {  	s28 =	simm.s32 $_size_execute0_lowered;
	s2 =	sadd.s32 s2, s4;
	[dreg:$0x0] =	wrdreg $0x0  }
0xa8: {  	s4 =	sshll.u32 s28, $0x1;
	[dreg:$0x2] =	wrdreg s2  }
0xa9: {  	[dreg:$0x3] =	wrdreg s4  }
0xaa: {  	[dreg:$0x4] =	wrdreg $0xC0  }
0xab: {  	_ =	task [dreg:s6], $0x5FFFF  }
0xac: {  	[dreg:$0x1] =	wrdreg $0xFFFFFFFF  }
0xad: {  	[dreg:$0x0] =	wrdreg $0x60  }
0xae: {  	[dreg:$0x2] =	wrdreg s24  }
0xaf: {  	[dreg:$0x3] =	wrdreg $0x2B000  }
0xb0: {  	[dreg:$0x4] =	wrdreg $0x9  }
0xb1: {  	_ =	task.clear_ibuf [dreg:s6], $0x5FFFF;
	_ =	strace $0x90000046  }
0xb2: {  	s29 =	simm.s32 $0x9;
	_ =	strace $0x80000048  }
0xb3: {  	_ =	swait.ge [sflag:s29], $0x1  }
0xb4: {  	[sflag:s29] =	ssyncadd.s32 $0xFFFFFFFF  }
0xb5: {  	_ =	strace $0x90000048  }
0xb6: {  	_ =	sfence  }
0xb7: {  	s30 =	sld [smem:$0x0];
	_ =	sdelay $0x2  }
0xb8: {  	s31 =	sshll.u32 s1, $0xD;
	s1 =	sshrl.u32 s1, $0x2  }
0xb9: {  	s3 =	sand.u32 $0x4000, s31;
	s1 =	sadd.s32 s1, s30  }
0xba: {  	s0 =	sor.u32 s3, s0;
	s1 =	sshll.u32 s1, $0x11  }
0xbb: {  	s0 =	sor.u32 s1, s0  }
0xbc: {  	s0 =	sadd.s32 $0x8F2B, s0  }
0xbd: {  	[sflag:s0] =	ssyncadd.remote.s32 $0x1  }
0xbe: {  	_ =	sfence.sel $0xFFFF  }
0xbf: {  	[dreg:$0x0] =	wrdreg $0xFFFFFFFF;
	(pc) =	sbr.abs _section_cstart, $3  }
0xc0: {  	[dreg:$0x1] =	wrdreg $0xFFFFFFFF  }
0xc1: {  	_ =	task.clear_ibuf [dreg:s6], $0x2FFFF;
	_ =	strace $0x9FFFFFFF  }
0xc2: {  	(tm) =	ssettm $0x7FFFFFFF  }
0xc3: {  	_ =	shalt  }
tec
execute0_lowered:
.L_overlay_start_1:
0x0: {  	(tag) =	ssettag $0x1  }
0x1: {  	s4 =	rddreg [dreg:$0x0]  }
0x2: {  	s1 =	rddreg [dreg:$0x1]  }
0x3: {  	s2 =	srdreg.scid;
	s0 =	rddreg [dreg:$0x2];
	s3 =	simm.s32 $0x0  }
0x4: {  	s10 =	simm.s32 $0x1;
	s11 =	simm.s32 $0x80;
	s12 =	simm.s32 $0x2800  }
0x5: {  	s15 =	simm.s32 $0x20;
	s16 =	simm.s32 $0x10;
	s17 =	simm.s32 $0x0  }
0x6: {  	s5 =	sand.u32 $0x1, s2;
	s2 =	stileid.u32;
	[smem:$0x7FF] =	sst s3  }
0x7: {  	s6 =	sshll.u32 s5, $0x4;
	s7 =	smul.u32 $0x500, s2;
	_ =	strace $0x80000047  }
0x8: {  	s8 =	sshll.u32 s5, $0x7;
	s5 =	ssub.s32 $0x2, s5;
	s30 =	smul.u32 $0xA00, s2  }
0x9: {  	s13 =	sshll.u32 s2, $0x6;
	s6 =	sor.u32 s2, s6;
	s9 =	sshrl.u32 s5, $0x1  }
0xa: {  	s13 =	sor.u32 $0x1C02, s13;
	s6 =	smul.u32 $0x500, s6;
	s7 =	sor.u32 s8, s7  }
0xb: {  	s9 =	ssub.s32 s5, s9;
	s31 =	sshrl.u32 s30, $0x2;
	s8 =	simm.s32 $0x2880  }
0xc: {  	s7 =	sshrl.u32 s7, $0x3;
	s5 =	sadd.s32 s31, s1;
	s6 =	sadd.s32 s6, s4  }
0xd: {  	s7 =	sadd.s32 s7, s4;
	s14 =	sshrl.u32 s5, $0x3;
	s4 =	sadd.s32 $0x1E00, s6  }
0xe: {  	v0 =	vimm.f32 $1.000000000e+00;
	v1 =	vimm.f32 $0.0e+00;
	s6 =	sadd.s32 $0x15E00, s7;
	s7 =	smax.u32 s9, $0x1;
	s9 =	simm.s32 $0x2  }
.LBB2_1:
0xf: {  	[tilespmem:s3], [sflag:$0x1] =	stream.linear.gather [hbm4b:s4+s3], $0x2800, $0x38;
	[tilespmem:$0x2D80] =	vst v63  }
0x10: {  	[tilespmem:$0x2800] =	vst v0  }
0x11: {  	[tilespmem:$0x2810] =	vst v0  }
0x12: {  	[tilespmem:$0x2820] =	vst v0  }
0x13: {  	[tilespmem:$0x2830] =	vst v0  }
0x14: {  	[tilespmem:$0x2840] =	vst v0  }
0x15: {  	[tilespmem:$0x2850] =	vst v0  }
0x16: {  	[tilespmem:$0x2860] =	vst v0  }
0x17: {  	[tilespmem:$0x2870] =	vst v0  }
0x18: {  	[tilespmem:$0x2880] =	vst v1  }
0x19: {  	[tilespmem:$0x2890] =	vst v1  }
0x1a: {  	[tilespmem:$0x28A0] =	vst v1  }
0x1b: {  	[tilespmem:$0x28B0] =	vst v1  }
0x1c: {  	[tilespmem:$0x28C0] =	vst v1  }
0x1d: {  	[tilespmem:$0x28D0] =	vst v1  }
0x1e: {  	[tilespmem:$0x28E0] =	vst v1  }
0x1f: {  	[tilespmem:$0x28F0] =	vst v1  }
0x20: {  	[tilespmem:$0x2900] =	vst v1  }
0x21: {  	[tilespmem:$0x2910] =	vst v1  }
0x22: {  	[tilespmem:$0x2920] =	vst v1  }
0x23: {  	[tilespmem:$0x2930] =	vst v1  }
0x24: {  	[tilespmem:$0x2940] =	vst v1  }
0x25: {  	[tilespmem:$0x2950] =	vst v1  }
0x26: {  	[tilespmem:$0x2960] =	vst v1  }
0x27: {  	[tilespmem:$0x2970] =	vst v1  }
0x28: {  	[tilespmem:$0x2980] =	vst v1  }
0x29: {  	[tilespmem:$0x2990] =	vst v1  }
0x2a: {  	[tilespmem:$0x29A0] =	vst v1  }
0x2b: {  	[tilespmem:$0x29B0] =	vst v1  }
0x2c: {  	[tilespmem:$0x29C0] =	vst v1  }
0x2d: {  	[tilespmem:$0x29D0] =	vst v1  }
0x2e: {  	[tilespmem:$0x29E0] =	vst v1  }
0x2f: {  	[tilespmem:$0x29F0] =	vst v1  }
0x30: {  	[tilespmem:$0x2A00] =	vst v1  }
0x31: {  	[tilespmem:$0x2A10] =	vst v1  }
0x32: {  	[tilespmem:$0x2A20] =	vst v1  }
0x33: {  	[tilespmem:$0x2A30] =	vst v1  }
0x34: {  	[tilespmem:$0x2A40] =	vst v1  }
0x35: {  	[tilespmem:$0x2A50] =	vst v1  }
0x36: {  	[tilespmem:$0x2A60] =	vst v1  }
0x37: {  	[tilespmem:$0x2A70] =	vst v1  }
0x38: {  	[tilespmem:$0x2A80] =	vst v1  }
0x39: {  	[tilespmem:$0x2A90] =	vst v1  }
0x3a: {  	[tilespmem:$0x2AA0] =	vst v1  }
0x3b: {  	[tilespmem:$0x2AB0] =	vst v1  }
0x3c: {  	[tilespmem:$0x2AC0] =	vst v1  }
0x3d: {  	[tilespmem:$0x2AD0] =	vst v1  }
0x3e: {  	[tilespmem:$0x2AE0] =	vst v1  }
0x3f: {  	[tilespmem:$0x2AF0] =	vst v1  }
0x40: {  	[spmem:s5] =	stream.linear.scatter [tilespmem:s8], [sflag:$0x2], $0x280, $0x38;
	[tilespmem:$0x2D80] =	vst v63  }
0x41: {  	_ =	swait.ge [sflag:s9], $0x280  }
0x42: {  	[sflag:s9] =	ssyncset.done $0x0  }
0x43: {  	[sflag:s9] =	ssyncadd.s32 $0xFFFFFD80  }
0x44: {  	_ =	swait.ge [sflag:s10], $0x2800  }
0x45: {  	[sflag:s10] =	ssyncset.done $0x0  }
0x46: {  	[sflag:s10] =	ssyncadd.s32 $0xFFFFD800  }
0x47: {  	s18 =	simm.s32 $0x0;
	[bflag:$0x0] =	sbarrier.arrive $0xFFFF  }
.LBB2_2:
0x48: {  	p0 =	sne.s32 s18, $0x9E00  }
.Ltmp0:
0x49: {  	_ = 	snop;
	(pc) =	sbr.rel @p0 .LBB2_2-.Ltmp0, $3  }
0x4a: {  	_ =	sdelay $0x1  }
0x4b: {  	s19 =	sshra.s32 s18, $0x2;
	s18 =	sadd.s32 $0x200, s18  }
0x4c: {  	[spmem:s1] =	stream.indirect.scatter.add.f32 [tilespmem:s12], [sflag:$0x1], $0x1, s19, s11, $0xb8;
	[tilespmem:$0x2D80] =	vst v63  }
0x4d: {  	_ =	swait.ge [sflag:s10], $0x80  }
0x4e: {  	s18 =	simm.s32 $0x4F;
	[sflag:s10] =	ssyncset.done $0x0  }
.LBB2_4:
0x4f: {  	p0 =	sne.s32 s18, $0x1;
	s18 =	sadd.s32 $0xFFFFFFFF, s18;
	[sflag:s10] =	ssyncadd.s32 $0xFFFFFF80  }
.Ltmp1:
0x50: {  	(pc) =	sbr.rel @p0 .LBB2_4-.Ltmp1, $3  }
0x51: {  	_ =	sdelay $0x1  }
0x52: {  	_ =	swait.ge [sflag:s10], $0x80  }
0x53: {  	[sflag:s10] =	ssyncset.done $0x0  }
0x54: {  	s17 =	sadd.s32 $0x1, s17  }
0x55: {  	[sflag:s10] =	ssyncadd.s32 $0xFFFFFF80;
	p0 =	sne.s32 s17, s7  }
.Ltmp2:
0x56: {  	[bflag:$0x0] =	sbarrier.arrive $0xFFFF;
	(pc) =	sbr.rel @p0 .LBB2_1-.Ltmp2, $4  }
0x57: {  	[hbm:s6@s15], [sflag:s13] =	dma.strided [spmem:s14@s16], $0x50, s10, $0x10   }
0x58: {  	_ =	swait.ge [sflag:s9], $0x50  }
0x59: {  	[sflag:s9] =	ssyncset.done $0x0  }
0x5a: {  	[sflag:s9] =	ssyncadd.s32 $0xFFFFFFB0  }
0x5b: {  	_ =	sfence.sel $0x180000  }
0x5c: {  	[bflag:$0x0] =	sbarrier.arrive $0xFFFF  }
0x5d: {  	p0 =	sne.s32 s2, $0x0;
	_ =	strace $0x90000047  }
0x5e: {  	s0 =	sadd.s32 @!p0 $0x100000, s0;
	[bflag:$0x2] =	sbarrier.arrive $0xFFFF  }
0x5f: {  	[sflag:s0] =	ssyncadd.tile.s32 @!p0 $0x1;
	_ =	shalt  }
.Lfunc_end2:
_tile_overlayer_lowered:
.L_overlay_start_2:
0x60: {  	(tag) =	ssettag $0x2  }
0x61: {  	s0 =	rddreg [dreg:$0x0];
	s2 =	stileid.u32  }
0x62: {  	s1 =	rddreg [dreg:$0x1];
	p0 =	sne.s32 s2, $0x0  }
0x63: {  	s3 =	rddreg [dreg:$0x2];
	[bflag:$0x3] =	sbarrier.arrive $0xFFFF;
	s2 =	simm.s32 @!p0 $0x1C02  }
0x64: {  	[timem:s3], [sflag:s2] =	dma.local @!p0 [hbm:s0], s1  }
0x65: {  	s0 =	simm.s32 @!p0 $0x2  }
0x66: {  	_ =	swait.ge @!p0 [sflag:s0], s1  }
0x67: {  	s1 =	ssub.s32 @!p0 $0x0, s1;
	[sflag:s0] =	ssyncset.done @!p0 $0x0  }
0x68: {  	[sflag:s0] =	ssyncadd.s32 @!p0 s1  }
0x69: {  	[bflag:$0x3] =	sbarrier.arrive $0xFFFF  }
0x6a: {  	_ =	shalt  }

</sc_bundles>
